<compile_context>
chip_gen: v7x
topology: tpu7x:2x2x1
jax: 0.10.2.dev20260603
libtpu: 0.0.44.dev20260713+nightly
codegen_flags: <defaults>
</compile_context>

<pallas_src>
import functools

import jax
import jax.numpy as jnp
from jax import lax
from jax.experimental import pallas as pl
from jax.experimental.pallas import tpu as pltpu
from jax.experimental.pallas import tpu_sc as plsc

N = 16777216
NC = 2
NS = 16
NW = NC * NS
PER_W = N // NW
CHUNK = 4096
NCH = PER_W // CHUNK
NB = 4
LANES = 16

_mesh = plsc.VectorSubcoreMesh(core_axis_name="c", subcore_axis_name="s")

_scratch = (
    [pltpu.VMEM((2, CHUNK), jnp.float32) for _ in range(NB)]
    + [pltpu.VMEM((CHUNK,), jnp.float32) for _ in range(2 * NB)]
    + [pltpu.SemaphoreType.DMA for _ in range(2 * NB)]
)


@functools.partial(
    pl.kernel,
    out_type=[
        jax.ShapeDtypeStruct((N,), jnp.float32),
        jax.ShapeDtypeStruct((N,), jnp.float32),
    ],
    mesh=_mesh,
    scratch_types=_scratch,
)
def _sc_field(z_hbm, dx_hbm, dy_hbm, *bufs):
    zin = bufs[0:NB]
    dxo = bufs[NB:2 * NB]
    dyo = bufs[2 * NB:3 * NB]
    in_sem = bufs[3 * NB:4 * NB]
    out_sem = bufs[4 * NB:5 * NB]

    wid = lax.axis_index("s") * NC + lax.axis_index("c")
    base = wid * PER_W

    neg1 = jnp.full((LANES,), -1.0, jnp.float32)
    pos1 = jnp.full((LANES,), 1.0, jnp.float32)

    def start_in(b, ch):
        off = base + ch * CHUNK
        pltpu.async_copy(z_hbm.at[:, pl.ds(off, CHUNK)], zin[b], in_sem[b])

    def wait_in(b):
        pltpu.make_async_copy(z_hbm.at[:, pl.ds(0, CHUNK)], zin[b], in_sem[b]).wait()

    def start_out(b, ch):
        off = base + ch * CHUNK
        pltpu.async_copy(dxo[b], dx_hbm.at[pl.ds(off, CHUNK)], out_sem[b])
        pltpu.async_copy(dyo[b], dy_hbm.at[pl.ds(off, CHUNK)], out_sem[b])

    def wait_out(b):
        pltpu.make_async_copy(dxo[b], dx_hbm.at[pl.ds(0, CHUNK)], out_sem[b]).wait()
        pltpu.make_async_copy(dyo[b], dy_hbm.at[pl.ds(0, CHUNK)], out_sem[b]).wait()

    def compute(b):
        zv, dxv, dyv = zin[b], dxo[b], dyo[b]

        @plsc.parallel_loop(0, CHUNK, step=LANES, unroll=4)
        def _(i):
            s = pl.ds(i, LANES)
            x = zv[0, s]
            y = zv[1, s]
            hot = x >= 2.0
            dxv[s] = jnp.where(hot, -y, jnp.where(y >= 0.0, neg1, pos1))
            dyv[s] = jnp.where(hot, x + 2.0, neg1)

    for b in range(NB):
        start_in(b, jnp.int32(b))

    def group(g, _):
        for b in range(NB):
            ch = g * NB + b
            wait_in(b)

            @pl.when(g > 0)
            def _():
                wait_out(b)

            compute(b)
            start_out(b, ch)

            @pl.when(ch + NB < NCH)
            def _():
                start_in(b, ch + NB)
        return 0

    lax.fori_loop(0, NCH // NB, group, 0)
    for b in range(NB):
        wait_out(b)


def kernel(t, z):
    dx, dy = _sc_field(z)
    return (dx, dy)

# --- scband reference (transcript-rebuilt; emitter-appended) ---
"""Pipeline reference for scband-nominal-vector-field-26268019982977 (READ-ONLY COPY).

The authoritative reference and input builder live on the scoring server;
editing this copy changes nothing except your own understanding.
"""

import jax, jax.numpy as jnp
import numpy as np

N = 16777216

def setup_inputs(seed: int = 0):
    key = jax.random.key(seed)
    t = jnp.zeros((), dtype=jnp.float32)
    z = jax.random.normal(jax.random.fold_in(key, 1), (2, N), dtype=jnp.float32) * 3.0
    return {"t": t, "z": z}

def reference(t, z):
    x = z[0]
    y = z[1]
    idx1 = x >= 2
    idx2 = jnp.logical_and(x < 2, y >= 0)
    idx3 = jnp.logical_and(x < 2, y < 0)
    dx = jnp.zeros_like(x)
    dy = jnp.zeros_like(y)
    dx = jnp.where(idx1, -y, dx)
    dy = jnp.where(idx1, x + 2.0, dy)
    dx = jnp.where(idx2, -jnp.ones_like(x), dx)
    dy = jnp.where(idx2, -jnp.ones_like(y), dy)
    dx = jnp.where(idx3, jnp.ones_like(x), dx)
    dy = jnp.where(idx3, -jnp.ones_like(y), dy)
    return (dx, dy)

if __name__ == "__main__":
    import jax
    _d = setup_inputs()
    print(jax.jit(kernel)(*tuple(_d.values())))

</pallas_src>

<mosaic_0001>
#map = affine_map<(d0, d1) -> (0, 0)>
#map1 = affine_map<(d0, d1) -> (0)>
module attributes {stable_mosaic.version = 14 : i64} {
  func.func @_sc_field(%arg0: i32, %arg1: i32, %arg2: memref<2x16777216xf32, #tpu.memory_space<hbm>>, %arg3: memref<16777216xf32, #tpu.memory_space<hbm>>, %arg4: memref<16777216xf32, #tpu.memory_space<hbm>>, %arg5: memref<2x4096xf32, #tpu.memory_space<vmem>>, %arg6: memref<2x4096xf32, #tpu.memory_space<vmem>>, %arg7: memref<2x4096xf32, #tpu.memory_space<vmem>>, %arg8: memref<2x4096xf32, #tpu.memory_space<vmem>>, %arg9: memref<4096xf32, #tpu.memory_space<vmem>>, %arg10: memref<4096xf32, #tpu.memory_space<vmem>>, %arg11: memref<4096xf32, #tpu.memory_space<vmem>>, %arg12: memref<4096xf32, #tpu.memory_space<vmem>>, %arg13: memref<4096xf32, #tpu.memory_space<vmem>>, %arg14: memref<4096xf32, #tpu.memory_space<vmem>>, %arg15: memref<4096xf32, #tpu.memory_space<vmem>>, %arg16: memref<4096xf32, #tpu.memory_space<vmem>>, %arg17: memref<!tpu.dma_semaphore, #tpu.memory_space<semaphore_mem>>, %arg18: memref<!tpu.dma_semaphore, #tpu.memory_space<semaphore_mem>>, %arg19: memref<!tpu.dma_semaphore, #tpu.memory_space<semaphore_mem>>, %arg20: memref<!tpu.dma_semaphore, #tpu.memory_space<semaphore_mem>>, %arg21: memref<!tpu.dma_semaphore, #tpu.memory_space<semaphore_mem>>, %arg22: memref<!tpu.dma_semaphore, #tpu.memory_space<semaphore_mem>>, %arg23: memref<!tpu.dma_semaphore, #tpu.memory_space<semaphore_mem>>, %arg24: memref<!tpu.dma_semaphore, #tpu.memory_space<semaphore_mem>>) attributes {dimension_semantics = [#tpu.dimension_semantics<core_parallel>, #tpu.dimension_semantics<subcore_parallel>], iteration_bounds = array<i64: 2, 16>, scalar_prefetch = 0 : i64, scratch_operands = 20 : i64, tpu.core_type = #tpu.core_type<sc_vector_subcore>, window_params = [{transform_indices = #map}, {transform_indices = #map1}, {transform_indices = #map1}]} {
    %mul3A = arith.constant 2 : i32
    %mul3A_0 = arith.muli %arg1, %mul3A : i32
    %add3A = arith.addi %mul3A_0, %arg0 : i32
    %mul3A_1 = arith.constant 524288 : i32
    %mul3A_2 = arith.muli %add3A, %mul3A_1 : i32
    %broadcast_in_dim3A = arith.constant -1.000000e+00 : f32
    %broadcast_in_dim3A_3 = vector.broadcast %broadcast_in_dim3A : f32 to vector<16xf32>
    %broadcast_in_dim3A_4 = arith.constant 1.000000e+00 : f32
    %broadcast_in_dim3A_5 = vector.broadcast %broadcast_in_dim3A_4 : f32 to vector<16xf32>
    %mul3A_6 = arith.constant 0 : i32
    %mul3A_7 = arith.constant 4096 : i32
    %mul3A_8 = arith.muli %mul3A_6, %mul3A_7 : i32
    %add3A_9 = arith.addi %mul3A_2, %mul3A_8 : i32
    %dma_start3A = arith.constant 0 : i32
    %dma_start3A_10 = tpu.memref_slice %arg2[%dma_start3A, %add3A_9] : memref<2x16777216xf32, #tpu.memory_space<hbm>> -> memref<2x4096xf32, #tpu.memory_space<hbm>>
    %dma_start3A_11 = arith.constant 0 : i32
    %dma_start3A_12 = tpu.memref_slice %arg2[%dma_start3A_11, %add3A_9] : memref<2x16777216xf32, #tpu.memory_space<hbm>> -> memref<2x4096xf32, #tpu.memory_space<hbm>>
    tpu.enqueue_dma source(%dma_start3A_12 : memref<2x4096xf32, #tpu.memory_space<hbm>>) target(%arg5 : memref<2x4096xf32, #tpu.memory_space<vmem>>) target_semaphore(%arg17 : memref<!tpu.dma_semaphore, #tpu.memory_space<semaphore_mem>>)
    %mul3A_13 = arith.constant 1 : i32
    %mul3A_14 = arith.constant 4096 : i32
    %mul3A_15 = arith.muli %mul3A_13, %mul3A_14 : i32
    %add3A_16 = arith.addi %mul3A_2, %mul3A_15 : i32
    %dma_start3A_17 = arith.constant 0 : i32
    %dma_start3A_18 = tpu.memref_slice %arg2[%dma_start3A_17, %add3A_16] : memref<2x16777216xf32, #tpu.memory_space<hbm>> -> memref<2x4096xf32, #tpu.memory_space<hbm>>
    %dma_start3A_19 = arith.constant 0 : i32
    %dma_start3A_20 = tpu.memref_slice %arg2[%dma_start3A_19, %add3A_16] : memref<2x16777216xf32, #tpu.memory_space<hbm>> -> memref<2x4096xf32, #tpu.memory_space<hbm>>
    tpu.enqueue_dma source(%dma_start3A_20 : memref<2x4096xf32, #tpu.memory_space<hbm>>) target(%arg6 : memref<2x4096xf32, #tpu.memory_space<vmem>>) target_semaphore(%arg18 : memref<!tpu.dma_semaphore, #tpu.memory_space<semaphore_mem>>)
    %mul3A_21 = arith.constant 2 : i32
    %mul3A_22 = arith.constant 4096 : i32
    %mul3A_23 = arith.muli %mul3A_21, %mul3A_22 : i32
    %add3A_24 = arith.addi %mul3A_2, %mul3A_23 : i32
    %dma_start3A_25 = arith.constant 0 : i32
    %dma_start3A_26 = tpu.memref_slice %arg2[%dma_start3A_25, %add3A_24] : memref<2x16777216xf32, #tpu.memory_space<hbm>> -> memref<2x4096xf32, #tpu.memory_space<hbm>>
    %dma_start3A_27 = arith.constant 0 : i32
    %dma_start3A_28 = tpu.memref_slice %arg2[%dma_start3A_27, %add3A_24] : memref<2x16777216xf32, #tpu.memory_space<hbm>> -> memref<2x4096xf32, #tpu.memory_space<hbm>>
    tpu.enqueue_dma source(%dma_start3A_28 : memref<2x4096xf32, #tpu.memory_space<hbm>>) target(%arg7 : memref<2x4096xf32, #tpu.memory_space<vmem>>) target_semaphore(%arg19 : memref<!tpu.dma_semaphore, #tpu.memory_space<semaphore_mem>>)
    %mul3A_29 = arith.constant 3 : i32
    %mul3A_30 = arith.constant 4096 : i32
    %mul3A_31 = arith.muli %mul3A_29, %mul3A_30 : i32
    %add3A_32 = arith.addi %mul3A_2, %mul3A_31 : i32
    %dma_start3A_33 = arith.constant 0 : i32
    %dma_start3A_34 = tpu.memref_slice %arg2[%dma_start3A_33, %add3A_32] : memref<2x16777216xf32, #tpu.memory_space<hbm>> -> memref<2x4096xf32, #tpu.memory_space<hbm>>
    %dma_start3A_35 = arith.constant 0 : i32
    %dma_start3A_36 = tpu.memref_slice %arg2[%dma_start3A_35, %add3A_32] : memref<2x16777216xf32, #tpu.memory_space<hbm>> -> memref<2x4096xf32, #tpu.memory_space<hbm>>
    tpu.enqueue_dma source(%dma_start3A_36 : memref<2x4096xf32, #tpu.memory_space<hbm>>) target(%arg8 : memref<2x4096xf32, #tpu.memory_space<vmem>>) target_semaphore(%arg20 : memref<!tpu.dma_semaphore, #tpu.memory_space<semaphore_mem>>)
    %scan3A = arith.constant 0 : i32
    %scan3A_37 = arith.constant 0 : i32
    %scan3A_38 = arith.constant 32 : i32
    %scan3A_39 = arith.addi %scan3A_37, %scan3A_38 : i32
    %scan3A_40 = arith.constant 1 : i32
    %scan3A_41 = scf.for %scan3A_74 = %scan3A_37 to %scan3A_39 step %scan3A_40 iter_args(%scan3A_75 = %scan3A) -> (i32)  : i32 {
      %mul3A_76 = arith.constant 4 : i32
      %mul3A_77 = arith.muli %scan3A_74, %mul3A_76 : i32
      %add3A_78 = arith.constant 0 : i32
      %add3A_79 = arith.addi %mul3A_77, %add3A_78 : i32
      %dma_wait3A_80 = arith.constant 0 : i32
      %dma_wait3A_81 = arith.constant 0 : i32
      %dma_wait3A_82 = tpu.memref_slice %arg2[%dma_wait3A_80, %dma_wait3A_81] : memref<2x16777216xf32, #tpu.memory_space<hbm>> -> memref<2x4096xf32, #tpu.memory_space<hbm>>
      %dma_wait3A_83 = arith.constant 0 : i32
      %dma_wait3A_84 = arith.constant 0 : i32
      %dma_wait3A_85 = tpu.memref_slice %arg2[%dma_wait3A_83, %dma_wait3A_84] : memref<2x16777216xf32, #tpu.memory_space<hbm>> -> memref<2x4096xf32, #tpu.memory_space<hbm>>
      tpu.wait_dma2 semaphore(%arg17 : memref<!tpu.dma_semaphore, #tpu.memory_space<semaphore_mem>>) src(%dma_wait3A_85 : memref<2x4096xf32, #tpu.memory_space<hbm>>) dst(%arg5 : memref<2x4096xf32, #tpu.memory_space<vmem>>)
      %gt3A = arith.constant 0 : i32
      %gt3A_86 = arith.cmpi sgt, %scan3A_74, %gt3A : i32
      %convert_element_type3A = arith.extui %gt3A_86 : i1 to i32
      %cond3A = arith.constant 0 : i32
      %cond3A_87 = arith.cmpi ne, %convert_element_type3A, %cond3A : i32
      scf.if %cond3A_87 {
        %dma_wait3A_200 = arith.constant 0 : i32
        %dma_wait3A_201 = tpu.memref_slice %arg3[%dma_wait3A_200] : memref<16777216xf32, #tpu.memory_space<hbm>> -> memref<4096xf32, #tpu.memory_space<hbm>>
        %dma_wait3A_202 = arith.constant 0 : i32
        %dma_wait3A_203 = tpu.memref_slice %arg3[%dma_wait3A_202] : memref<16777216xf32, #tpu.memory_space<hbm>> -> memref<4096xf32, #tpu.memory_space<hbm>>
        tpu.wait_dma2 semaphore(%arg21 : memref<!tpu.dma_semaphore, #tpu.memory_space<semaphore_mem>>) src(%arg9 : memref<4096xf32, #tpu.memory_space<vmem>>) dst(%dma_wait3A_203 : memref<4096xf32, #tpu.memory_space<hbm>>)
        %dma_wait3A_204 = arith.constant 0 : i32
        %dma_wait3A_205 = tpu.memref_slice %arg4[%dma_wait3A_204] : memref<16777216xf32, #tpu.memory_space<hbm>> -> memref<4096xf32, #tpu.memory_space<hbm>>
        %dma_wait3A_206 = arith.constant 0 : i32
        %dma_wait3A_207 = tpu.memref_slice %arg4[%dma_wait3A_206] : memref<16777216xf32, #tpu.memory_space<hbm>> -> memref<4096xf32, #tpu.memory_space<hbm>>
        tpu.wait_dma2 semaphore(%arg21 : memref<!tpu.dma_semaphore, #tpu.memory_space<semaphore_mem>>) src(%arg13 : memref<4096xf32, #tpu.memory_space<vmem>>) dst(%dma_wait3A_207 : memref<4096xf32, #tpu.memory_space<hbm>>)
      } else {
      }
      %parallel_loop3A = arith.constant 0 : i32
      %parallel_loop3A_88 = arith.constant 4096 : i32
      %parallel_loop3A_89 = arith.constant 16 : i32
      scf.for %parallel_loop3A_200 = %parallel_loop3A to %parallel_loop3A_88 step %parallel_loop3A_89  : i32 {
        %parallel_loop3A_201 = arith.constant 0 : i32
        %parallel_loop3A_202 = arith.index_cast %parallel_loop3A_201 : i32 to index
        %parallel_loop3A_203 = arith.index_cast %parallel_loop3A_200 : i32 to index
        %parallel_loop3A_204 = tpu.vector_load %arg5[%parallel_loop3A_202, %parallel_loop3A_203] {strides = array<i32>} : memref<2x4096xf32, #tpu.memory_space<vmem>>, vector<1x16xf32>,
        %parallel_loop3A_205 = vector.shape_cast %parallel_loop3A_204 : vector<1x16xf32> to vector<16xf32>
        %parallel_loop3A_206 = arith.constant 1 : i32
        %parallel_loop3A_207 = arith.index_cast %parallel_loop3A_206 : i32 to index
        %parallel_loop3A_208 = arith.index_cast %parallel_loop3A_200 : i32 to index
        %parallel_loop3A_209 = tpu.vector_load %arg5[%parallel_loop3A_207, %parallel_loop3A_208] {strides = array<i32>} : memref<2x4096xf32, #tpu.memory_space<vmem>>, vector<1x16xf32>,
        %parallel_loop3A_210 = vector.shape_cast %parallel_loop3A_209 : vector<1x16xf32> to vector<16xf32>
        %parallel_loop3A_211 = arith.constant 2.000000e+00 : f32
        %parallel_loop3A_212 = vector.broadcast %parallel_loop3A_211 : f32 to vector<16xf32>
        %parallel_loop3A_213 = arith.cmpf oge, %parallel_loop3A_205, %parallel_loop3A_212 : vector<16xf32>
        %parallel_loop3A_214 = arith.constant 0.000000e+00 : f32
        %parallel_loop3A_215 = vector.broadcast %parallel_loop3A_214 : f32 to vector<16xf32>
        %parallel_loop3A_216 = arith.subf %parallel_loop3A_215, %parallel_loop3A_210 : vector<16xf32>
        %parallel_loop3A_217 = arith.constant 0.000000e+00 : f32
        %parallel_loop3A_218 = vector.broadcast %parallel_loop3A_217 : f32 to vector<16xf32>
        %parallel_loop3A_219 = arith.cmpf oge, %parallel_loop3A_210, %parallel_loop3A_218 : vector<16xf32>
        %parallel_loop3A_220 = arith.select %parallel_loop3A_219, %broadcast_in_dim3A_3, %broadcast_in_dim3A_5 : vector<16xi1>, vector<16xf32>
        %parallel_loop3A_221 = arith.select %parallel_loop3A_213, %parallel_loop3A_216, %parallel_loop3A_220 : vector<16xi1>, vector<16xf32>
        %parallel_loop3A_222 = arith.index_cast %parallel_loop3A_200 : i32 to index
        %parallel_loop3A_223 = tpu.vector_load %arg9[%parallel_loop3A_222] {strides = array<i32>} : memref<4096xf32, #tpu.memory_space<vmem>>, vector<16xf32>,
        %parallel_loop3A_224 = vector.shape_cast %parallel_loop3A_223 : vector<16xf32> to vector<16xf32>
        %parallel_loop3A_225 = vector.shape_cast %parallel_loop3A_221 : vector<16xf32> to vector<16xf32>
        tpu.vector_store %arg9[%parallel_loop3A_222], %parallel_loop3A_225 {strides = array<i32>} : memref<4096xf32, #tpu.memory_space<vmem>>, vector<16xf32>,
        %parallel_loop3A_226 = arith.constant 2.000000e+00 : f32
        %parallel_loop3A_227 = vector.broadcast %parallel_loop3A_226 : f32 to vector<16xf32>
        %parallel_loop3A_228 = arith.addf %parallel_loop3A_205, %parallel_loop3A_227 : vector<16xf32>
        %parallel_loop3A_229 = arith.select %parallel_loop3A_213, %parallel_loop3A_228, %broadcast_in_dim3A_3 : vector<16xi1>, vector<16xf32>
        %parallel_loop3A_230 = arith.index_cast %parallel_loop3A_200 : i32 to index
        %parallel_loop3A_231 = tpu.vector_load %arg13[%parallel_loop3A_230] {strides = array<i32>} : memref<4096xf32, #tpu.memory_space<vmem>>, vector<16xf32>,
        %parallel_loop3A_232 = vector.shape_cast %parallel_loop3A_231 : vector<16xf32> to vector<16xf32>
        %parallel_loop3A_233 = vector.shape_cast %parallel_loop3A_229 : vector<16xf32> to vector<16xf32>
        tpu.vector_store %arg13[%parallel_loop3A_230], %parallel_loop3A_233 {strides = array<i32>} : memref<4096xf32, #tpu.memory_space<vmem>>, vector<16xf32>,
      } {sc.loop_unroll_factor = 4 : i64, sc.parallel_access}
      %mul3A_90 = arith.constant 4096 : i32
      %mul3A_91 = arith.muli %add3A_79, %mul3A_90 : i32
      %add3A_92 = arith.addi %mul3A_2, %mul3A_91 : i32
      %dma_start3A_93 = tpu.memref_slice %arg3[%add3A_92] : memref<16777216xf32, #tpu.memory_space<hbm>> -> memref<4096xf32, #tpu.memory_space<hbm>>
      %dma_start3A_94 = tpu.memref_slice %arg3[%add3A_92] : memref<16777216xf32, #tpu.memory_space<hbm>> -> memref<4096xf32, #tpu.memory_space<hbm>>
      tpu.enqueue_dma source(%arg9 : memref<4096xf32, #tpu.memory_space<vmem>>) target(%dma_start3A_94 : memref<4096xf32, #tpu.memory_space<hbm>>) target_semaphore(%arg21 : memref<!tpu.dma_semaphore, #tpu.memory_space<semaphore_mem>>)
      %dma_start3A_95 = tpu.memref_slice %arg4[%add3A_92] : memref<16777216xf32, #tpu.memory_space<hbm>> -> memref<4096xf32, #tpu.memory_space<hbm>>
      %dma_start3A_96 = tpu.memref_slice %arg4[%add3A_92] : memref<16777216xf32, #tpu.memory_space<hbm>> -> memref<4096xf32, #tpu.memory_space<hbm>>
      tpu.enqueue_dma source(%arg13 : memref<4096xf32, #tpu.memory_space<vmem>>) target(%dma_start3A_96 : memref<4096xf32, #tpu.memory_space<hbm>>) target_semaphore(%arg21 : memref<!tpu.dma_semaphore, #tpu.memory_space<semaphore_mem>>)
      %add3A_97 = arith.constant 4 : i32
      %add3A_98 = arith.addi %add3A_79, %add3A_97 : i32
      %lt3A = arith.constant 128 : i32
      %lt3A_99 = arith.cmpi slt, %add3A_98, %lt3A : i32
      %convert_element_type3A_100 = arith.extui %lt3A_99 : i1 to i32
      %cond3A_101 = arith.constant 0 : i32
      %cond3A_102 = arith.cmpi ne, %convert_element_type3A_100, %cond3A_101 : i32
      scf.if %cond3A_102 {
        %add3A_200 = arith.constant 4 : i32
        %add3A_201 = arith.addi %add3A_79, %add3A_200 : i32
        %mul3A_202 = arith.constant 4096 : i32
        %mul3A_203 = arith.muli %add3A_201, %mul3A_202 : i32
        %add3A_204 = arith.addi %mul3A_2, %mul3A_203 : i32
        %dma_start3A_205 = arith.constant 0 : i32
        %dma_start3A_206 = tpu.memref_slice %arg2[%dma_start3A_205, %add3A_204] : memref<2x16777216xf32, #tpu.memory_space<hbm>> -> memref<2x4096xf32, #tpu.memory_space<hbm>>
        %dma_start3A_207 = arith.constant 0 : i32
        %dma_start3A_208 = tpu.memref_slice %arg2[%dma_start3A_207, %add3A_204] : memref<2x16777216xf32, #tpu.memory_space<hbm>> -> memref<2x4096xf32, #tpu.memory_space<hbm>>
        tpu.enqueue_dma source(%dma_start3A_208 : memref<2x4096xf32, #tpu.memory_space<hbm>>) target(%arg5 : memref<2x4096xf32, #tpu.memory_space<vmem>>) target_semaphore(%arg17 : memref<!tpu.dma_semaphore, #tpu.memory_space<semaphore_mem>>)
      } else {
      }
      %mul3A_103 = arith.constant 4 : i32
      %mul3A_104 = arith.muli %scan3A_74, %mul3A_103 : i32
      %add3A_105 = arith.constant 1 : i32
      %add3A_106 = arith.addi %mul3A_104, %add3A_105 : i32
      %dma_wait3A_107 = arith.constant 0 : i32
      %dma_wait3A_108 = arith.constant 0 : i32
      %dma_wait3A_109 = tpu.memref_slice %arg2[%dma_wait3A_107, %dma_wait3A_108] : memref<2x16777216xf32, #tpu.memory_space<hbm>> -> memref<2x4096xf32, #tpu.memory_space<hbm>>
      %dma_wait3A_110 = arith.constant 0 : i32
      %dma_wait3A_111 = arith.constant 0 : i32
      %dma_wait3A_112 = tpu.memref_slice %arg2[%dma_wait3A_110, %dma_wait3A_111] : memref<2x16777216xf32, #tpu.memory_space<hbm>> -> memref<2x4096xf32, #tpu.memory_space<hbm>>
      tpu.wait_dma2 semaphore(%arg18 : memref<!tpu.dma_semaphore, #tpu.memory_space<semaphore_mem>>) src(%dma_wait3A_112 : memref<2x4096xf32, #tpu.memory_space<hbm>>) dst(%arg6 : memref<2x4096xf32, #tpu.memory_space<vmem>>)
      %gt3A_113 = arith.constant 0 : i32
      %gt3A_114 = arith.cmpi sgt, %scan3A_74, %gt3A_113 : i32
      %convert_element_type3A_115 = arith.extui %gt3A_114 : i1 to i32
      %cond3A_116 = arith.constant 0 : i32
      %cond3A_117 = arith.cmpi ne, %convert_element_type3A_115, %cond3A_116 : i32
      scf.if %cond3A_117 {
        %dma_wait3A_200 = arith.constant 0 : i32
        %dma_wait3A_201 = tpu.memref_slice %arg3[%dma_wait3A_200] : memref<16777216xf32, #tpu.memory_space<hbm>> -> memref<4096xf32, #tpu.memory_space<hbm>>
        %dma_wait3A_202 = arith.constant 0 : i32
        %dma_wait3A_203 = tpu.memref_slice %arg3[%dma_wait3A_202] : memref<16777216xf32, #tpu.memory_space<hbm>> -> memref<4096xf32, #tpu.memory_space<hbm>>
        tpu.wait_dma2 semaphore(%arg22 : memref<!tpu.dma_semaphore, #tpu.memory_space<semaphore_mem>>) src(%arg10 : memref<4096xf32, #tpu.memory_space<vmem>>) dst(%dma_wait3A_203 : memref<4096xf32, #tpu.memory_space<hbm>>)
        %dma_wait3A_204 = arith.constant 0 : i32
        %dma_wait3A_205 = tpu.memref_slice %arg4[%dma_wait3A_204] : memref<16777216xf32, #tpu.memory_space<hbm>> -> memref<4096xf32, #tpu.memory_space<hbm>>
        %dma_wait3A_206 = arith.constant 0 : i32
        %dma_wait3A_207 = tpu.memref_slice %arg4[%dma_wait3A_206] : memref<16777216xf32, #tpu.memory_space<hbm>> -> memref<4096xf32, #tpu.memory_space<hbm>>
        tpu.wait_dma2 semaphore(%arg22 : memref<!tpu.dma_semaphore, #tpu.memory_space<semaphore_mem>>) src(%arg14 : memref<4096xf32, #tpu.memory_space<vmem>>) dst(%dma_wait3A_207 : memref<4096xf32, #tpu.memory_space<hbm>>)
      } else {
      }
      %parallel_loop3A_118 = arith.constant 0 : i32
      %parallel_loop3A_119 = arith.constant 4096 : i32
      %parallel_loop3A_120 = arith.constant 16 : i32
      scf.for %parallel_loop3A_200 = %parallel_loop3A_118 to %parallel_loop3A_119 step %parallel_loop3A_120  : i32 {
        %parallel_loop3A_201 = arith.constant 0 : i32
        %parallel_loop3A_202 = arith.index_cast %parallel_loop3A_201 : i32 to index
        %parallel_loop3A_203 = arith.index_cast %parallel_loop3A_200 : i32 to index
        %parallel_loop3A_204 = tpu.vector_load %arg6[%parallel_loop3A_202, %parallel_loop3A_203] {strides = array<i32>} : memref<2x4096xf32, #tpu.memory_space<vmem>>, vector<1x16xf32>,
        %parallel_loop3A_205 = vector.shape_cast %parallel_loop3A_204 : vector<1x16xf32> to vector<16xf32>
        %parallel_loop3A_206 = arith.constant 1 : i32
        %parallel_loop3A_207 = arith.index_cast %parallel_loop3A_206 : i32 to index
        %parallel_loop3A_208 = arith.index_cast %parallel_loop3A_200 : i32 to index
        %parallel_loop3A_209 = tpu.vector_load %arg6[%parallel_loop3A_207, %parallel_loop3A_208] {strides = array<i32>} : memref<2x4096xf32, #tpu.memory_space<vmem>>, vector<1x16xf32>,
        %parallel_loop3A_210 = vector.shape_cast %parallel_loop3A_209 : vector<1x16xf32> to vector<16xf32>
        %parallel_loop3A_211 = arith.constant 2.000000e+00 : f32
        %parallel_loop3A_212 = vector.broadcast %parallel_loop3A_211 : f32 to vector<16xf32>
        %parallel_loop3A_213 = arith.cmpf oge, %parallel_loop3A_205, %parallel_loop3A_212 : vector<16xf32>
        %parallel_loop3A_214 = arith.constant 0.000000e+00 : f32
        %parallel_loop3A_215 = vector.broadcast %parallel_loop3A_214 : f32 to vector<16xf32>
        %parallel_loop3A_216 = arith.subf %parallel_loop3A_215, %parallel_loop3A_210 : vector<16xf32>
        %parallel_loop3A_217 = arith.constant 0.000000e+00 : f32
        %parallel_loop3A_218 = vector.broadcast %parallel_loop3A_217 : f32 to vector<16xf32>
        %parallel_loop3A_219 = arith.cmpf oge, %parallel_loop3A_210, %parallel_loop3A_218 : vector<16xf32>
        %parallel_loop3A_220 = arith.select %parallel_loop3A_219, %broadcast_in_dim3A_3, %broadcast_in_dim3A_5 : vector<16xi1>, vector<16xf32>
        %parallel_loop3A_221 = arith.select %parallel_loop3A_213, %parallel_loop3A_216, %parallel_loop3A_220 : vector<16xi1>, vector<16xf32>
        %parallel_loop3A_222 = arith.index_cast %parallel_loop3A_200 : i32 to index
        %parallel_loop3A_223 = tpu.vector_load %arg10[%parallel_loop3A_222] {strides = array<i32>} : memref<4096xf32, #tpu.memory_space<vmem>>, vector<16xf32>,
        %parallel_loop3A_224 = vector.shape_cast %parallel_loop3A_223 : vector<16xf32> to vector<16xf32>
        %parallel_loop3A_225 = vector.shape_cast %parallel_loop3A_221 : vector<16xf32> to vector<16xf32>
        tpu.vector_store %arg10[%parallel_loop3A_222], %parallel_loop3A_225 {strides = array<i32>} : memref<4096xf32, #tpu.memory_space<vmem>>, vector<16xf32>,
        %parallel_loop3A_226 = arith.constant 2.000000e+00 : f32
        %parallel_loop3A_227 = vector.broadcast %parallel_loop3A_226 : f32 to vector<16xf32>
        %parallel_loop3A_228 = arith.addf %parallel_loop3A_205, %parallel_loop3A_227 : vector<16xf32>
        %parallel_loop3A_229 = arith.select %parallel_loop3A_213, %parallel_loop3A_228, %broadcast_in_dim3A_3 : vector<16xi1>, vector<16xf32>
        %parallel_loop3A_230 = arith.index_cast %parallel_loop3A_200 : i32 to index
        %parallel_loop3A_231 = tpu.vector_load %arg14[%parallel_loop3A_230] {strides = array<i32>} : memref<4096xf32, #tpu.memory_space<vmem>>, vector<16xf32>,
        %parallel_loop3A_232 = vector.shape_cast %parallel_loop3A_231 : vector<16xf32> to vector<16xf32>
        %parallel_loop3A_233 = vector.shape_cast %parallel_loop3A_229 : vector<16xf32> to vector<16xf32>
        tpu.vector_store %arg14[%parallel_loop3A_230], %parallel_loop3A_233 {strides = array<i32>} : memref<4096xf32, #tpu.memory_space<vmem>>, vector<16xf32>,
      } {sc.loop_unroll_factor = 4 : i64, sc.parallel_access}
      %mul3A_121 = arith.constant 4096 : i32
      %mul3A_122 = arith.muli %add3A_106, %mul3A_121 : i32
      %add3A_123 = arith.addi %mul3A_2, %mul3A_122 : i32
      %dma_start3A_124 = tpu.memref_slice %arg3[%add3A_123] : memref<16777216xf32, #tpu.memory_space<hbm>> -> memref<4096xf32, #tpu.memory_space<hbm>>
      %dma_start3A_125 = tpu.memref_slice %arg3[%add3A_123] : memref<16777216xf32, #tpu.memory_space<hbm>> -> memref<4096xf32, #tpu.memory_space<hbm>>
      tpu.enqueue_dma source(%arg10 : memref<4096xf32, #tpu.memory_space<vmem>>) target(%dma_start3A_125 : memref<4096xf32, #tpu.memory_space<hbm>>) target_semaphore(%arg22 : memref<!tpu.dma_semaphore, #tpu.memory_space<semaphore_mem>>)
      %dma_start3A_126 = tpu.memref_slice %arg4[%add3A_123] : memref<16777216xf32, #tpu.memory_space<hbm>> -> memref<4096xf32, #tpu.memory_space<hbm>>
      %dma_start3A_127 = tpu.memref_slice %arg4[%add3A_123] : memref<16777216xf32, #tpu.memory_space<hbm>> -> memref<4096xf32, #tpu.memory_space<hbm>>
      tpu.enqueue_dma source(%arg14 : memref<4096xf32, #tpu.memory_space<vmem>>) target(%dma_start3A_127 : memref<4096xf32, #tpu.memory_space<hbm>>) target_semaphore(%arg22 : memref<!tpu.dma_semaphore, #tpu.memory_space<semaphore_mem>>)
      %add3A_128 = arith.constant 4 : i32
      %add3A_129 = arith.addi %add3A_106, %add3A_128 : i32
      %lt3A_130 = arith.constant 128 : i32
      %lt3A_131 = arith.cmpi slt, %add3A_129, %lt3A_130 : i32
      %convert_element_type3A_132 = arith.extui %lt3A_131 : i1 to i32
      %cond3A_133 = arith.constant 0 : i32
      %cond3A_134 = arith.cmpi ne, %convert_element_type3A_132, %cond3A_133 : i32
      scf.if %cond3A_134 {
        %add3A_200 = arith.constant 4 : i32
        %add3A_201 = arith.addi %add3A_106, %add3A_200 : i32
        %mul3A_202 = arith.constant 4096 : i32
        %mul3A_203 = arith.muli %add3A_201, %mul3A_202 : i32
        %add3A_204 = arith.addi %mul3A_2, %mul3A_203 : i32
        %dma_start3A_205 = arith.constant 0 : i32
        %dma_start3A_206 = tpu.memref_slice %arg2[%dma_start3A_205, %add3A_204] : memref<2x16777216xf32, #tpu.memory_space<hbm>> -> memref<2x4096xf32, #tpu.memory_space<hbm>>
        %dma_start3A_207 = arith.constant 0 : i32
        %dma_start3A_208 = tpu.memref_slice %arg2[%dma_start3A_207, %add3A_204] : memref<2x16777216xf32, #tpu.memory_space<hbm>> -> memref<2x4096xf32, #tpu.memory_space<hbm>>
        tpu.enqueue_dma source(%dma_start3A_208 : memref<2x4096xf32, #tpu.memory_space<hbm>>) target(%arg6 : memref<2x4096xf32, #tpu.memory_space<vmem>>) target_semaphore(%arg18 : memref<!tpu.dma_semaphore, #tpu.memory_space<semaphore_mem>>)
      } else {
      }
      %mul3A_135 = arith.constant 4 : i32
      %mul3A_136 = arith.muli %scan3A_74, %mul3A_135 : i32
      %add3A_137 = arith.constant 2 : i32
      %add3A_138 = arith.addi %mul3A_136, %add3A_137 : i32
      %dma_wait3A_139 = arith.constant 0 : i32
      %dma_wait3A_140 = arith.constant 0 : i32
      %dma_wait3A_141 = tpu.memref_slice %arg2[%dma_wait3A_139, %dma_wait3A_140] : memref<2x16777216xf32, #tpu.memory_space<hbm>> -> memref<2x4096xf32, #tpu.memory_space<hbm>>
      %dma_wait3A_142 = arith.constant 0 : i32
      %dma_wait3A_143 = arith.constant 0 : i32
      %dma_wait3A_144 = tpu.memref_slice %arg2[%dma_wait3A_142, %dma_wait3A_143] : memref<2x16777216xf32, #tpu.memory_space<hbm>> -> memref<2x4096xf32, #tpu.memory_space<hbm>>
      tpu.wait_dma2 semaphore(%arg19 : memref<!tpu.dma_semaphore, #tpu.memory_space<semaphore_mem>>) src(%dma_wait3A_144 : memref<2x4096xf32, #tpu.memory_space<hbm>>) dst(%arg7 : memref<2x4096xf32, #tpu.memory_space<vmem>>)
      %gt3A_145 = arith.constant 0 : i32
      %gt3A_146 = arith.cmpi sgt, %scan3A_74, %gt3A_145 : i32
      %convert_element_type3A_147 = arith.extui %gt3A_146 : i1 to i32
      %cond3A_148 = arith.constant 0 : i32
      %cond3A_149 = arith.cmpi ne, %convert_element_type3A_147, %cond3A_148 : i32
      scf.if %cond3A_149 {
        %dma_wait3A_200 = arith.constant 0 : i32
        %dma_wait3A_201 = tpu.memref_slice %arg3[%dma_wait3A_200] : memref<16777216xf32, #tpu.memory_space<hbm>> -> memref<4096xf32, #tpu.memory_space<hbm>>
        %dma_wait3A_202 = arith.constant 0 : i32
        %dma_wait3A_203 = tpu.memref_slice %arg3[%dma_wait3A_202] : memref<16777216xf32, #tpu.memory_space<hbm>> -> memref<4096xf32, #tpu.memory_space<hbm>>
        tpu.wait_dma2 semaphore(%arg23 : memref<!tpu.dma_semaphore, #tpu.memory_space<semaphore_mem>>) src(%arg11 : memref<4096xf32, #tpu.memory_space<vmem>>) dst(%dma_wait3A_203 : memref<4096xf32, #tpu.memory_space<hbm>>)
        %dma_wait3A_204 = arith.constant 0 : i32
        %dma_wait3A_205 = tpu.memref_slice %arg4[%dma_wait3A_204] : memref<16777216xf32, #tpu.memory_space<hbm>> -> memref<4096xf32, #tpu.memory_space<hbm>>
        %dma_wait3A_206 = arith.constant 0 : i32
        %dma_wait3A_207 = tpu.memref_slice %arg4[%dma_wait3A_206] : memref<16777216xf32, #tpu.memory_space<hbm>> -> memref<4096xf32, #tpu.memory_space<hbm>>
        tpu.wait_dma2 semaphore(%arg23 : memref<!tpu.dma_semaphore, #tpu.memory_space<semaphore_mem>>) src(%arg15 : memref<4096xf32, #tpu.memory_space<vmem>>) dst(%dma_wait3A_207 : memref<4096xf32, #tpu.memory_space<hbm>>)
      } else {
      }
      %parallel_loop3A_150 = arith.constant 0 : i32
      %parallel_loop3A_151 = arith.constant 4096 : i32
      %parallel_loop3A_152 = arith.constant 16 : i32
      scf.for %parallel_loop3A_200 = %parallel_loop3A_150 to %parallel_loop3A_151 step %parallel_loop3A_152  : i32 {
        %parallel_loop3A_201 = arith.constant 0 : i32
        %parallel_loop3A_202 = arith.index_cast %parallel_loop3A_201 : i32 to index
        %parallel_loop3A_203 = arith.index_cast %parallel_loop3A_200 : i32 to index
        %parallel_loop3A_204 = tpu.vector_load %arg7[%parallel_loop3A_202, %parallel_loop3A_203] {strides = array<i32>} : memref<2x4096xf32, #tpu.memory_space<vmem>>, vector<1x16xf32>,
        %parallel_loop3A_205 = vector.shape_cast %parallel_loop3A_204 : vector<1x16xf32> to vector<16xf32>
        %parallel_loop3A_206 = arith.constant 1 : i32
        %parallel_loop3A_207 = arith.index_cast %parallel_loop3A_206 : i32 to index
        %parallel_loop3A_208 = arith.index_cast %parallel_loop3A_200 : i32 to index
        %parallel_loop3A_209 = tpu.vector_load %arg7[%parallel_loop3A_207, %parallel_loop3A_208] {strides = array<i32>} : memref<2x4096xf32, #tpu.memory_space<vmem>>, vector<1x16xf32>,
        %parallel_loop3A_210 = vector.shape_cast %parallel_loop3A_209 : vector<1x16xf32> to vector<16xf32>
        %parallel_loop3A_211 = arith.constant 2.000000e+00 : f32
        %parallel_loop3A_212 = vector.broadcast %parallel_loop3A_211 : f32 to vector<16xf32>
        %parallel_loop3A_213 = arith.cmpf oge, %parallel_loop3A_205, %parallel_loop3A_212 : vector<16xf32>
        %parallel_loop3A_214 = arith.constant 0.000000e+00 : f32
        %parallel_loop3A_215 = vector.broadcast %parallel_loop3A_214 : f32 to vector<16xf32>
        %parallel_loop3A_216 = arith.subf %parallel_loop3A_215, %parallel_loop3A_210 : vector<16xf32>
        %parallel_loop3A_217 = arith.constant 0.000000e+00 : f32
        %parallel_loop3A_218 = vector.broadcast %parallel_loop3A_217 : f32 to vector<16xf32>
        %parallel_loop3A_219 = arith.cmpf oge, %parallel_loop3A_210, %parallel_loop3A_218 : vector<16xf32>
        %parallel_loop3A_220 = arith.select %parallel_loop3A_219, %broadcast_in_dim3A_3, %broadcast_in_dim3A_5 : vector<16xi1>, vector<16xf32>
        %parallel_loop3A_221 = arith.select %parallel_loop3A_213, %parallel_loop3A_216, %parallel_loop3A_220 : vector<16xi1>, vector<16xf32>
        %parallel_loop3A_222 = arith.index_cast %parallel_loop3A_200 : i32 to index
        %parallel_loop3A_223 = tpu.vector_load %arg11[%parallel_loop3A_222] {strides = array<i32>} : memref<4096xf32, #tpu.memory_space<vmem>>, vector<16xf32>,
        %parallel_loop3A_224 = vector.shape_cast %parallel_loop3A_223 : vector<16xf32> to vector<16xf32>
        %parallel_loop3A_225 = vector.shape_cast %parallel_loop3A_221 : vector<16xf32> to vector<16xf32>
        tpu.vector_store %arg11[%parallel_loop3A_222], %parallel_loop3A_225 {strides = array<i32>} : memref<4096xf32, #tpu.memory_space<vmem>>, vector<16xf32>,
        %parallel_loop3A_226 = arith.constant 2.000000e+00 : f32
        %parallel_loop3A_227 = vector.broadcast %parallel_loop3A_226 : f32 to vector<16xf32>
        %parallel_loop3A_228 = arith.addf %parallel_loop3A_205, %parallel_loop3A_227 : vector<16xf32>
        %parallel_loop3A_229 = arith.select %parallel_loop3A_213, %parallel_loop3A_228, %broadcast_in_dim3A_3 : vector<16xi1>, vector<16xf32>
        %parallel_loop3A_230 = arith.index_cast %parallel_loop3A_200 : i32 to index
        %parallel_loop3A_231 = tpu.vector_load %arg15[%parallel_loop3A_230] {strides = array<i32>} : memref<4096xf32, #tpu.memory_space<vmem>>, vector<16xf32>,
        %parallel_loop3A_232 = vector.shape_cast %parallel_loop3A_231 : vector<16xf32> to vector<16xf32>
        %parallel_loop3A_233 = vector.shape_cast %parallel_loop3A_229 : vector<16xf32> to vector<16xf32>
        tpu.vector_store %arg15[%parallel_loop3A_230], %parallel_loop3A_233 {strides = array<i32>} : memref<4096xf32, #tpu.memory_space<vmem>>, vector<16xf32>,
      } {sc.loop_unroll_factor = 4 : i64, sc.parallel_access}
      %mul3A_153 = arith.constant 4096 : i32
      %mul3A_154 = arith.muli %add3A_138, %mul3A_153 : i32
      %add3A_155 = arith.addi %mul3A_2, %mul3A_154 : i32
      %dma_start3A_156 = tpu.memref_slice %arg3[%add3A_155] : memref<16777216xf32, #tpu.memory_space<hbm>> -> memref<4096xf32, #tpu.memory_space<hbm>>
      %dma_start3A_157 = tpu.memref_slice %arg3[%add3A_155] : memref<16777216xf32, #tpu.memory_space<hbm>> -> memref<4096xf32, #tpu.memory_space<hbm>>
      tpu.enqueue_dma source(%arg11 : memref<4096xf32, #tpu.memory_space<vmem>>) target(%dma_start3A_157 : memref<4096xf32, #tpu.memory_space<hbm>>) target_semaphore(%arg23 : memref<!tpu.dma_semaphore, #tpu.memory_space<semaphore_mem>>)
      %dma_start3A_158 = tpu.memref_slice %arg4[%add3A_155] : memref<16777216xf32, #tpu.memory_space<hbm>> -> memref<4096xf32, #tpu.memory_space<hbm>>
      %dma_start3A_159 = tpu.memref_slice %arg4[%add3A_155] : memref<16777216xf32, #tpu.memory_space<hbm>> -> memref<4096xf32, #tpu.memory_space<hbm>>
      tpu.enqueue_dma source(%arg15 : memref<4096xf32, #tpu.memory_space<vmem>>) target(%dma_start3A_159 : memref<4096xf32, #tpu.memory_space<hbm>>) target_semaphore(%arg23 : memref<!tpu.dma_semaphore, #tpu.memory_space<semaphore_mem>>)
      %add3A_160 = arith.constant 4 : i32
      %add3A_161 = arith.addi %add3A_138, %add3A_160 : i32
      %lt3A_162 = arith.constant 128 : i32
      %lt3A_163 = arith.cmpi slt, %add3A_161, %lt3A_162 : i32
      %convert_element_type3A_164 = arith.extui %lt3A_163 : i1 to i32
      %cond3A_165 = arith.constant 0 : i32
      %cond3A_166 = arith.cmpi ne, %convert_element_type3A_164, %cond3A_165 : i32
      scf.if %cond3A_166 {
        %add3A_200 = arith.constant 4 : i32
        %add3A_201 = arith.addi %add3A_138, %add3A_200 : i32
        %mul3A_202 = arith.constant 4096 : i32
        %mul3A_203 = arith.muli %add3A_201, %mul3A_202 : i32
        %add3A_204 = arith.addi %mul3A_2, %mul3A_203 : i32
        %dma_start3A_205 = arith.constant 0 : i32
        %dma_start3A_206 = tpu.memref_slice %arg2[%dma_start3A_205, %add3A_204] : memref<2x16777216xf32, #tpu.memory_space<hbm>> -> memref<2x4096xf32, #tpu.memory_space<hbm>>
        %dma_start3A_207 = arith.constant 0 : i32
        %dma_start3A_208 = tpu.memref_slice %arg2[%dma_start3A_207, %add3A_204] : memref<2x16777216xf32, #tpu.memory_space<hbm>> -> memref<2x4096xf32, #tpu.memory_space<hbm>>
        tpu.enqueue_dma source(%dma_start3A_208 : memref<2x4096xf32, #tpu.memory_space<hbm>>) target(%arg7 : memref<2x4096xf32, #tpu.memory_space<vmem>>) target_semaphore(%arg19 : memref<!tpu.dma_semaphore, #tpu.memory_space<semaphore_mem>>)
      } else {
      }
      %mul3A_167 = arith.constant 4 : i32
      %mul3A_168 = arith.muli %scan3A_74, %mul3A_167 : i32
      %add3A_169 = arith.constant 3 : i32
      %add3A_170 = arith.addi %mul3A_168, %add3A_169 : i32
      %dma_wait3A_171 = arith.constant 0 : i32
      %dma_wait3A_172 = arith.constant 0 : i32
      %dma_wait3A_173 = tpu.memref_slice %arg2[%dma_wait3A_171, %dma_wait3A_172] : memref<2x16777216xf32, #tpu.memory_space<hbm>> -> memref<2x4096xf32, #tpu.memory_space<hbm>>
      %dma_wait3A_174 = arith.constant 0 : i32
      %dma_wait3A_175 = arith.constant 0 : i32
      %dma_wait3A_176 = tpu.memref_slice %arg2[%dma_wait3A_174, %dma_wait3A_175] : memref<2x16777216xf32, #tpu.memory_space<hbm>> -> memref<2x4096xf32, #tpu.memory_space<hbm>>
      tpu.wait_dma2 semaphore(%arg20 : memref<!tpu.dma_semaphore, #tpu.memory_space<semaphore_mem>>) src(%dma_wait3A_176 : memref<2x4096xf32, #tpu.memory_space<hbm>>) dst(%arg8 : memref<2x4096xf32, #tpu.memory_space<vmem>>)
      %gt3A_177 = arith.constant 0 : i32
      %gt3A_178 = arith.cmpi sgt, %scan3A_74, %gt3A_177 : i32
      %convert_element_type3A_179 = arith.extui %gt3A_178 : i1 to i32
      %cond3A_180 = arith.constant 0 : i32
      %cond3A_181 = arith.cmpi ne, %convert_element_type3A_179, %cond3A_180 : i32
      scf.if %cond3A_181 {
        %dma_wait3A_200 = arith.constant 0 : i32
        %dma_wait3A_201 = tpu.memref_slice %arg3[%dma_wait3A_200] : memref<16777216xf32, #tpu.memory_space<hbm>> -> memref<4096xf32, #tpu.memory_space<hbm>>
        %dma_wait3A_202 = arith.constant 0 : i32
        %dma_wait3A_203 = tpu.memref_slice %arg3[%dma_wait3A_202] : memref<16777216xf32, #tpu.memory_space<hbm>> -> memref<4096xf32, #tpu.memory_space<hbm>>
        tpu.wait_dma2 semaphore(%arg24 : memref<!tpu.dma_semaphore, #tpu.memory_space<semaphore_mem>>) src(%arg12 : memref<4096xf32, #tpu.memory_space<vmem>>) dst(%dma_wait3A_203 : memref<4096xf32, #tpu.memory_space<hbm>>)
        %dma_wait3A_204 = arith.constant 0 : i32
        %dma_wait3A_205 = tpu.memref_slice %arg4[%dma_wait3A_204] : memref<16777216xf32, #tpu.memory_space<hbm>> -> memref<4096xf32, #tpu.memory_space<hbm>>
        %dma_wait3A_206 = arith.constant 0 : i32
        %dma_wait3A_207 = tpu.memref_slice %arg4[%dma_wait3A_206] : memref<16777216xf32, #tpu.memory_space<hbm>> -> memref<4096xf32, #tpu.memory_space<hbm>>
        tpu.wait_dma2 semaphore(%arg24 : memref<!tpu.dma_semaphore, #tpu.memory_space<semaphore_mem>>) src(%arg16 : memref<4096xf32, #tpu.memory_space<vmem>>) dst(%dma_wait3A_207 : memref<4096xf32, #tpu.memory_space<hbm>>)
      } else {
      }
      %parallel_loop3A_182 = arith.constant 0 : i32
      %parallel_loop3A_183 = arith.constant 4096 : i32
      %parallel_loop3A_184 = arith.constant 16 : i32
      scf.for %parallel_loop3A_200 = %parallel_loop3A_182 to %parallel_loop3A_183 step %parallel_loop3A_184  : i32 {
        %parallel_loop3A_201 = arith.constant 0 : i32
        %parallel_loop3A_202 = arith.index_cast %parallel_loop3A_201 : i32 to index
        %parallel_loop3A_203 = arith.index_cast %parallel_loop3A_200 : i32 to index
        %parallel_loop3A_204 = tpu.vector_load %arg8[%parallel_loop3A_202, %parallel_loop3A_203] {strides = array<i32>} : memref<2x4096xf32, #tpu.memory_space<vmem>>, vector<1x16xf32>,
        %parallel_loop3A_205 = vector.shape_cast %parallel_loop3A_204 : vector<1x16xf32> to vector<16xf32>
        %parallel_loop3A_206 = arith.constant 1 : i32
        %parallel_loop3A_207 = arith.index_cast %parallel_loop3A_206 : i32 to index
        %parallel_loop3A_208 = arith.index_cast %parallel_loop3A_200 : i32 to index
        %parallel_loop3A_209 = tpu.vector_load %arg8[%parallel_loop3A_207, %parallel_loop3A_208] {strides = array<i32>} : memref<2x4096xf32, #tpu.memory_space<vmem>>, vector<1x16xf32>,
        %parallel_loop3A_210 = vector.shape_cast %parallel_loop3A_209 : vector<1x16xf32> to vector<16xf32>
        %parallel_loop3A_211 = arith.constant 2.000000e+00 : f32
        %parallel_loop3A_212 = vector.broadcast %parallel_loop3A_211 : f32 to vector<16xf32>
        %parallel_loop3A_213 = arith.cmpf oge, %parallel_loop3A_205, %parallel_loop3A_212 : vector<16xf32>
        %parallel_loop3A_214 = arith.constant 0.000000e+00 : f32
        %parallel_loop3A_215 = vector.broadcast %parallel_loop3A_214 : f32 to vector<16xf32>
        %parallel_loop3A_216 = arith.subf %parallel_loop3A_215, %parallel_loop3A_210 : vector<16xf32>
        %parallel_loop3A_217 = arith.constant 0.000000e+00 : f32
        %parallel_loop3A_218 = vector.broadcast %parallel_loop3A_217 : f32 to vector<16xf32>
        %parallel_loop3A_219 = arith.cmpf oge, %parallel_loop3A_210, %parallel_loop3A_218 : vector<16xf32>
        %parallel_loop3A_220 = arith.select %parallel_loop3A_219, %broadcast_in_dim3A_3, %broadcast_in_dim3A_5 : vector<16xi1>, vector<16xf32>
        %parallel_loop3A_221 = arith.select %parallel_loop3A_213, %parallel_loop3A_216, %parallel_loop3A_220 : vector<16xi1>, vector<16xf32>
        %parallel_loop3A_222 = arith.index_cast %parallel_loop3A_200 : i32 to index
        %parallel_loop3A_223 = tpu.vector_load %arg12[%parallel_loop3A_222] {strides = array<i32>} : memref<4096xf32, #tpu.memory_space<vmem>>, vector<16xf32>,
        %parallel_loop3A_224 = vector.shape_cast %parallel_loop3A_223 : vector<16xf32> to vector<16xf32>
        %parallel_loop3A_225 = vector.shape_cast %parallel_loop3A_221 : vector<16xf32> to vector<16xf32>
        tpu.vector_store %arg12[%parallel_loop3A_222], %parallel_loop3A_225 {strides = array<i32>} : memref<4096xf32, #tpu.memory_space<vmem>>, vector<16xf32>,
        %parallel_loop3A_226 = arith.constant 2.000000e+00 : f32
        %parallel_loop3A_227 = vector.broadcast %parallel_loop3A_226 : f32 to vector<16xf32>
        %parallel_loop3A_228 = arith.addf %parallel_loop3A_205, %parallel_loop3A_227 : vector<16xf32>
        %parallel_loop3A_229 = arith.select %parallel_loop3A_213, %parallel_loop3A_228, %broadcast_in_dim3A_3 : vector<16xi1>, vector<16xf32>
        %parallel_loop3A_230 = arith.index_cast %parallel_loop3A_200 : i32 to index
        %parallel_loop3A_231 = tpu.vector_load %arg16[%parallel_loop3A_230] {strides = array<i32>} : memref<4096xf32, #tpu.memory_space<vmem>>, vector<16xf32>,
        %parallel_loop3A_232 = vector.shape_cast %parallel_loop3A_231 : vector<16xf32> to vector<16xf32>
        %parallel_loop3A_233 = vector.shape_cast %parallel_loop3A_229 : vector<16xf32> to vector<16xf32>
        tpu.vector_store %arg16[%parallel_loop3A_230], %parallel_loop3A_233 {strides = array<i32>} : memref<4096xf32, #tpu.memory_space<vmem>>, vector<16xf32>,
      } {sc.loop_unroll_factor = 4 : i64, sc.parallel_access}
      %mul3A_185 = arith.constant 4096 : i32
      %mul3A_186 = arith.muli %add3A_170, %mul3A_185 : i32
      %add3A_187 = arith.addi %mul3A_2, %mul3A_186 : i32
      %dma_start3A_188 = tpu.memref_slice %arg3[%add3A_187] : memref<16777216xf32, #tpu.memory_space<hbm>> -> memref<4096xf32, #tpu.memory_space<hbm>>
      %dma_start3A_189 = tpu.memref_slice %arg3[%add3A_187] : memref<16777216xf32, #tpu.memory_space<hbm>> -> memref<4096xf32, #tpu.memory_space<hbm>>
      tpu.enqueue_dma source(%arg12 : memref<4096xf32, #tpu.memory_space<vmem>>) target(%dma_start3A_189 : memref<4096xf32, #tpu.memory_space<hbm>>) target_semaphore(%arg24 : memref<!tpu.dma_semaphore, #tpu.memory_space<semaphore_mem>>)
      %dma_start3A_190 = tpu.memref_slice %arg4[%add3A_187] : memref<16777216xf32, #tpu.memory_space<hbm>> -> memref<4096xf32, #tpu.memory_space<hbm>>
      %dma_start3A_191 = tpu.memref_slice %arg4[%add3A_187] : memref<16777216xf32, #tpu.memory_space<hbm>> -> memref<4096xf32, #tpu.memory_space<hbm>>
      tpu.enqueue_dma source(%arg16 : memref<4096xf32, #tpu.memory_space<vmem>>) target(%dma_start3A_191 : memref<4096xf32, #tpu.memory_space<hbm>>) target_semaphore(%arg24 : memref<!tpu.dma_semaphore, #tpu.memory_space<semaphore_mem>>)
      %add3A_192 = arith.constant 4 : i32
      %add3A_193 = arith.addi %add3A_170, %add3A_192 : i32
      %lt3A_194 = arith.constant 128 : i32
      %lt3A_195 = arith.cmpi slt, %add3A_193, %lt3A_194 : i32
      %convert_element_type3A_196 = arith.extui %lt3A_195 : i1 to i32
      %cond3A_197 = arith.constant 0 : i32
      %cond3A_198 = arith.cmpi ne, %convert_element_type3A_196, %cond3A_197 : i32
      scf.if %cond3A_198 {
        %add3A_200 = arith.constant 4 : i32
        %add3A_201 = arith.addi %add3A_170, %add3A_200 : i32
        %mul3A_202 = arith.constant 4096 : i32
        %mul3A_203 = arith.muli %add3A_201, %mul3A_202 : i32
        %add3A_204 = arith.addi %mul3A_2, %mul3A_203 : i32
        %dma_start3A_205 = arith.constant 0 : i32
        %dma_start3A_206 = tpu.memref_slice %arg2[%dma_start3A_205, %add3A_204] : memref<2x16777216xf32, #tpu.memory_space<hbm>> -> memref<2x4096xf32, #tpu.memory_space<hbm>>
        %dma_start3A_207 = arith.constant 0 : i32
        %dma_start3A_208 = tpu.memref_slice %arg2[%dma_start3A_207, %add3A_204] : memref<2x16777216xf32, #tpu.memory_space<hbm>> -> memref<2x4096xf32, #tpu.memory_space<hbm>>
        tpu.enqueue_dma source(%dma_start3A_208 : memref<2x4096xf32, #tpu.memory_space<hbm>>) target(%arg8 : memref<2x4096xf32, #tpu.memory_space<vmem>>) target_semaphore(%arg20 : memref<!tpu.dma_semaphore, #tpu.memory_space<semaphore_mem>>)
      } else {
      }
      %scan3A_199 = arith.constant 0 : i32
      scf.yield %scan3A_199 : i32
    }
    %scan3A_42 = arith.constant 32 : i32
    %dma_wait3A = arith.constant 0 : i32
    %dma_wait3A_43 = tpu.memref_slice %arg3[%dma_wait3A] : memref<16777216xf32, #tpu.memory_space<hbm>> -> memref<4096xf32, #tpu.memory_space<hbm>>
    %dma_wait3A_44 = arith.constant 0 : i32
    %dma_wait3A_45 = tpu.memref_slice %arg3[%dma_wait3A_44] : memref<16777216xf32, #tpu.memory_space<hbm>> -> memref<4096xf32, #tpu.memory_space<hbm>>
    tpu.wait_dma2 semaphore(%arg21 : memref<!tpu.dma_semaphore, #tpu.memory_space<semaphore_mem>>) src(%arg9 : memref<4096xf32, #tpu.memory_space<vmem>>) dst(%dma_wait3A_45 : memref<4096xf32, #tpu.memory_space<hbm>>)
    %dma_wait3A_46 = arith.constant 0 : i32
    %dma_wait3A_47 = tpu.memref_slice %arg4[%dma_wait3A_46] : memref<16777216xf32, #tpu.memory_space<hbm>> -> memref<4096xf32, #tpu.memory_space<hbm>>
    %dma_wait3A_48 = arith.constant 0 : i32
    %dma_wait3A_49 = tpu.memref_slice %arg4[%dma_wait3A_48] : memref<16777216xf32, #tpu.memory_space<hbm>> -> memref<4096xf32, #tpu.memory_space<hbm>>
    tpu.wait_dma2 semaphore(%arg21 : memref<!tpu.dma_semaphore, #tpu.memory_space<semaphore_mem>>) src(%arg13 : memref<4096xf32, #tpu.memory_space<vmem>>) dst(%dma_wait3A_49 : memref<4096xf32, #tpu.memory_space<hbm>>)
    %dma_wait3A_50 = arith.constant 0 : i32
    %dma_wait3A_51 = tpu.memref_slice %arg3[%dma_wait3A_50] : memref<16777216xf32, #tpu.memory_space<hbm>> -> memref<4096xf32, #tpu.memory_space<hbm>>
    %dma_wait3A_52 = arith.constant 0 : i32
    %dma_wait3A_53 = tpu.memref_slice %arg3[%dma_wait3A_52] : memref<16777216xf32, #tpu.memory_space<hbm>> -> memref<4096xf32, #tpu.memory_space<hbm>>
    tpu.wait_dma2 semaphore(%arg22 : memref<!tpu.dma_semaphore, #tpu.memory_space<semaphore_mem>>) src(%arg10 : memref<4096xf32, #tpu.memory_space<vmem>>) dst(%dma_wait3A_53 : memref<4096xf32, #tpu.memory_space<hbm>>)
    %dma_wait3A_54 = arith.constant 0 : i32
    %dma_wait3A_55 = tpu.memref_slice %arg4[%dma_wait3A_54] : memref<16777216xf32, #tpu.memory_space<hbm>> -> memref<4096xf32, #tpu.memory_space<hbm>>
    %dma_wait3A_56 = arith.constant 0 : i32
    %dma_wait3A_57 = tpu.memref_slice %arg4[%dma_wait3A_56] : memref<16777216xf32, #tpu.memory_space<hbm>> -> memref<4096xf32, #tpu.memory_space<hbm>>
    tpu.wait_dma2 semaphore(%arg22 : memref<!tpu.dma_semaphore, #tpu.memory_space<semaphore_mem>>) src(%arg14 : memref<4096xf32, #tpu.memory_space<vmem>>) dst(%dma_wait3A_57 : memref<4096xf32, #tpu.memory_space<hbm>>)
    %dma_wait3A_58 = arith.constant 0 : i32
    %dma_wait3A_59 = tpu.memref_slice %arg3[%dma_wait3A_58] : memref<16777216xf32, #tpu.memory_space<hbm>> -> memref<4096xf32, #tpu.memory_space<hbm>>
    %dma_wait3A_60 = arith.constant 0 : i32
    %dma_wait3A_61 = tpu.memref_slice %arg3[%dma_wait3A_60] : memref<16777216xf32, #tpu.memory_space<hbm>> -> memref<4096xf32, #tpu.memory_space<hbm>>
    tpu.wait_dma2 semaphore(%arg23 : memref<!tpu.dma_semaphore, #tpu.memory_space<semaphore_mem>>) src(%arg11 : memref<4096xf32, #tpu.memory_space<vmem>>) dst(%dma_wait3A_61 : memref<4096xf32, #tpu.memory_space<hbm>>)
    %dma_wait3A_62 = arith.constant 0 : i32
    %dma_wait3A_63 = tpu.memref_slice %arg4[%dma_wait3A_62] : memref<16777216xf32, #tpu.memory_space<hbm>> -> memref<4096xf32, #tpu.memory_space<hbm>>
    %dma_wait3A_64 = arith.constant 0 : i32
    %dma_wait3A_65 = tpu.memref_slice %arg4[%dma_wait3A_64] : memref<16777216xf32, #tpu.memory_space<hbm>> -> memref<4096xf32, #tpu.memory_space<hbm>>
    tpu.wait_dma2 semaphore(%arg23 : memref<!tpu.dma_semaphore, #tpu.memory_space<semaphore_mem>>) src(%arg15 : memref<4096xf32, #tpu.memory_space<vmem>>) dst(%dma_wait3A_65 : memref<4096xf32, #tpu.memory_space<hbm>>)
    %dma_wait3A_66 = arith.constant 0 : i32
    %dma_wait3A_67 = tpu.memref_slice %arg3[%dma_wait3A_66] : memref<16777216xf32, #tpu.memory_space<hbm>> -> memref<4096xf32, #tpu.memory_space<hbm>>
    %dma_wait3A_68 = arith.constant 0 : i32
    %dma_wait3A_69 = tpu.memref_slice %arg3[%dma_wait3A_68] : memref<16777216xf32, #tpu.memory_space<hbm>> -> memref<4096xf32, #tpu.memory_space<hbm>>
    tpu.wait_dma2 semaphore(%arg24 : memref<!tpu.dma_semaphore, #tpu.memory_space<semaphore_mem>>) src(%arg12 : memref<4096xf32, #tpu.memory_space<vmem>>) dst(%dma_wait3A_69 : memref<4096xf32, #tpu.memory_space<hbm>>)
    %dma_wait3A_70 = arith.constant 0 : i32
    %dma_wait3A_71 = tpu.memref_slice %arg4[%dma_wait3A_70] : memref<16777216xf32, #tpu.memory_space<hbm>> -> memref<4096xf32, #tpu.memory_space<hbm>>
    %dma_wait3A_72 = arith.constant 0 : i32
    %dma_wait3A_73 = tpu.memref_slice %arg4[%dma_wait3A_72] : memref<16777216xf32, #tpu.memory_space<hbm>> -> memref<4096xf32, #tpu.memory_space<hbm>>
    tpu.wait_dma2 semaphore(%arg24 : memref<!tpu.dma_semaphore, #tpu.memory_space<semaphore_mem>>) src(%arg16 : memref<4096xf32, #tpu.memory_space<vmem>>) dst(%dma_wait3A_73 : memref<4096xf32, #tpu.memory_space<hbm>>)
    return
  }
}

</mosaic_0001>

<sc_bundles>
// kernel: kernel.3.cloned.1.call-start
scs
__scs_entry_jumppad:
0x0: {  	(pc) =	sbr.rel $0x88, $3  }
0x1: {  	(tag) =	ssettag $0x0;
	lr =	simm.s32 $0x1  }
0x2: {  	[smem:$0x3FA0] =	sst lr;
	_ =	strace $0xD0000000  }
0x3: {  	_ = 	snop  }
0x4: {  	_ = 	snop  }
0x5: {  	_ = 	snop  }
0x6: {  	_ = 	snop  }
0x7: {  	_ = 	snop  }
__scs_overlays_trampoline_lowered:
0x8: {  	[smem:$0x3FAF] =	sst s0  }
0x9: {  	[smem:$0x3FB0] =	sst s1  }
0xa: {  	[smem:$0x3FB1] =	sst s2  }
0xb: {  	[smem:$0x3FB2] =	sst s3  }
0xc: {  	[smem:$0x3FB3] =	sst s4  }
0xd: {  	[smem:$0x3FB4] =	sst s5  }
0xe: {  	[smem:$0x3FB5] =	sst s6  }
0xf: {  	[smem:$0x3FB6] =	sst s7  }
0x10: {  	[smem:$0x3FB7] =	sst s8  }
0x11: {  	[smem:$0x3FB8] =	sst s9;
	s0 =	simm.s32 @!p0 $0x0  }
0x12: {  	s1 =	sld [smem:$0x3F9E];
	s0 =	simm.s32 @p0 $0x1  }
0x13: {  	[smem:$0x3FB9] =	sst s0;
	s0 =	simm.s32 @!p1 $0x0  }
0x14: {  	s2 =	sld [smem:$0x3F9D];
	s0 =	simm.s32 @p1 $0x1  }
0x15: {  	[smem:$0x3FBA] =	sst s0;
	s0 =	simm.s32 @!p2 $0x0  }
0x16: {  	s3 =	sld [smem:$0x3FDB];
	s0 =	simm.s32 @p2 $0x1  }
0x17: {  	s4 =	simm.s32 $0x1BF5;
	[smem:$0x3FBC] =	sst s0  }
0x18: {  	s0 =	sld [smem:$0x3F9F];
	_ =	swait.ge [sflag:s4], $0x0  }
0x19: {  	s7 =	sld [smem:$0x3FA0]  }
0x1a: {  	s8 =	sadd.s32 $0xFFFFE003, lr  }
0x1b: {  	s9 =	sadd.s32 $0xFFFFFEF7, lr;
	s5 =	simm.s32 $0xFFFFFFFF;
	p2 =	slt.u32 s8, $0xFFFFF086  }
0x1c: {  	p1 =	slt.u32 s9, $0xF7A;
	s5 =	simm.s32 @!p2 $0x0  }
0x1d: {  	s5 =	simm.s32 @p1 $0x1;
	p0 =	seq.s32 s7, s2  }
0x1e: {  	s7 =	smul.u32 @!p0 $0xF7A, s2;
	p2 =	seq.s32 @!p0 s5, $0x0  }
0x1f: {  	s9 =	smul.u32 $0xF7A, s1;
	s8 =	simm.s32 @!p0 $0x1BF5;
	p2 =	por !p2, p0  }
0x20: {  	[sflag:s8] =	ssyncset.s32 @!p0 $0xFFFFF086;
	s6 =	sadd.s32 @!p0 s3, s7;
	s7 =	simm.s32 @!p0 $0x108  }
0x21: {  	s3 =	sadd.s32 s3, s9;
	s6 =	sadd.s32 @!p0 $0x88, s6;
	s7 =	simm.s32 @p2 $0x1082  }
0x22: {  	[simem:s7], [sflag:s8] =	dma.local @!p0 [hbm:s6], $0xF7A  }
0x23: {  	s9 =	sor.u32 $0xD0000000, s2;
	s6 =	simm.s32 $0x108;
	_ =	swait.ge @!p0 [sflag:s8], $0x0  }
0x24: {  	s3 =	sadd.s32 $0x88, s3;
	s6 =	simm.s32 @!p1 $0x1082;
	[sflag:s4] =	ssyncset.s32 $0xFFFFF086  }
0x25: {  	[simem:s6], [sflag:s4] =	dma.local [hbm:s3], $0xF7A  }
0x26: {  	[smem:$0x3FA0] =	sst s1;
	(tag) =	ssettag s2;
	_ =	strace s9  }
0x27: {  	s1 =	sld [smem:$0x3FB0]  }
0x28: {  	s2 =	sld [smem:$0x3FB1]  }
0x29: {  	s4 =	sld [smem:$0x3FB3]  }
0x2a: {  	p0 =	seq.s32 s5, $0x0;
	s5 =	sld [smem:$0x3FB4]  }
0x2b: {  	s6 =	sld [smem:$0x3FB5]  }
0x2c: {  	s7 =	sld [smem:$0x3FB6]  }
0x2d: {  	s3 =	simm.s32 $0x108;
	s8 =	sld [smem:$0x3FB7]  }
0x2e: {  	s3 =	simm.s32 @!p0 $0x1082;
	s9 =	sld [smem:$0x3FB8]  }
0x2f: {  	lr =	sadd.s32 s0, s3;
	s0 =	sld [smem:$0x3FAF]  }
0x30: {  	s3 =	sld [smem:$0x3FB2]  }
0x31: {  	[smem:$0x3FBB] =	sst s10  }
0x32: {  	s10 =	sld [smem:$0x3FB9];
	_ =	sdelay $0x3  }
0x33: {  	p0 =	seq.s32 s10, $0x1;
	s10 =	sld [smem:$0x3FBB];
	_ =	sdelay $0x3  }
0x34: {  	[smem:$0x3FBB] =	sst s10  }
0x35: {  	s10 =	sld [smem:$0x3FBA];
	_ =	sdelay $0x3  }
0x36: {  	p1 =	seq.s32 s10, $0x1;
	s10 =	sld [smem:$0x3FBB];
	_ =	sdelay $0x3  }
0x37: {  	[smem:$0x3FBB] =	sst s10  }
0x38: {  	s10 =	sld [smem:$0x3FBC]  }
0x39: {  	_ = 	snop;
	(pc) =	sbr.ind lr, $3  }
0x3a: {  	_ = 	snop  }
0x3b: {  	_ = 	snop  }
0x3c: {  	p2 =	seq.s32 s10, $0x1;
	s10 =	sld [smem:$0x3FBB]  }
0x3d: {  	_ =	shalt  }
0x3e: {  	_ =	shalt  }
0x3f: {  	_ =	shalt  }
0x40: {  	_ =	shalt  }
0x41: {  	_ =	shalt  }
0x42: {  	_ =	shalt  }
0x43: {  	_ =	shalt  }
0x44: {  	_ =	shalt  }
0x45: {  	_ =	shalt  }
0x46: {  	_ =	shalt  }
0x47: {  	_ =	shalt  }
0x48: {  	_ =	shalt  }
0x49: {  	_ =	shalt  }
0x4a: {  	_ =	shalt  }
0x4b: {  	_ =	shalt  }
0x4c: {  	_ =	shalt  }
0x4d: {  	_ =	shalt  }
0x4e: {  	_ =	shalt  }
0x4f: {  	_ =	shalt  }
0x50: {  	_ =	shalt  }
0x51: {  	_ =	shalt  }
0x52: {  	_ =	shalt  }
0x53: {  	_ =	shalt  }
0x54: {  	_ =	shalt  }
0x55: {  	_ =	shalt  }
0x56: {  	_ =	shalt  }
0x57: {  	_ =	shalt  }
0x58: {  	_ =	shalt  }
0x59: {  	_ =	shalt  }
0x5a: {  	_ =	shalt  }
0x5b: {  	_ =	shalt  }
0x5c: {  	_ =	shalt  }
0x5d: {  	_ =	shalt  }
0x5e: {  	_ =	shalt  }
0x5f: {  	_ =	shalt  }
0x60: {  	_ =	shalt  }
0x61: {  	_ =	shalt  }
0x62: {  	_ =	shalt  }
0x63: {  	_ =	shalt  }
0x64: {  	_ =	shalt  }
0x65: {  	_ =	shalt  }
0x66: {  	_ =	shalt  }
0x67: {  	_ =	shalt  }
0x68: {  	_ =	shalt  }
0x69: {  	_ =	shalt  }
0x6a: {  	_ =	shalt  }
0x6b: {  	_ =	shalt  }
0x6c: {  	_ =	shalt  }
0x6d: {  	_ =	shalt  }
0x6e: {  	_ =	shalt  }
0x6f: {  	_ =	shalt  }
0x70: {  	_ =	shalt  }
0x71: {  	_ =	shalt  }
0x72: {  	_ =	shalt  }
0x73: {  	_ =	shalt  }
0x74: {  	_ =	shalt  }
0x75: {  	_ =	shalt  }
0x76: {  	_ =	shalt  }
0x77: {  	_ =	shalt  }
0x78: {  	_ =	shalt  }
0x79: {  	_ =	shalt  }
0x7a: {  	_ =	shalt  }
0x7b: {  	_ =	shalt  }
0x7c: {  	_ =	shalt  }
0x7d: {  	_ =	shalt  }
0x7e: {  	_ =	shalt  }
0x7f: {  	_ =	shalt  }
0x80: {  	_ =	shalt  }
0x81: {  	_ =	shalt  }
0x82: {  	_ =	shalt  }
0x83: {  	_ =	shalt  }
0x84: {  	_ =	shalt  }
0x85: {  	_ =	shalt  }
0x86: {  	_ =	shalt  }
0x87: {  	_ =	shalt  }
.Lfunc_end0:
.L_simem_size_0:
called_computation_lowered:
.L_overlay_start_0:
0x88: {  	s2 =	sld [smem:$0x3FD9]  }
0x89: {  	s3 =	sld [smem:$0x3FFE];
	_ =	sdelay $0x1  }
0x8a: {  	s1 =	srdreg.scid  }
0x8b: {  	s0 =	sand.u32 $0x1, s1  }
0x8c: {  	s15 =	sshll.u32 s0, $0xA;
	s2 =	sadd.s32 s3, s2  }
0x8d: {  	s2 =	sadd.s32 s2, s15  }
0x8e: {  	[smem:$0x3FC7] =	sst s2  }
0x8f: {  	_ = 	snop  }
0x90: {  	s2 =	sld [smem:$0x3FD0];
	_ =	sdelay $0x2  }
0x91: {  	s4 =	simm.s32 $0xA;
	s5 =	simm.s32 $0x10;
	s16 =	sld [smem:$0x3FC9]  }
0x92: {  	[smem:s5], [sflag:s4] =	dma.local [hbm:s2], $0x1  }
0x93: {  	_ =	swait.eq [sflag:s4], $0x1  }
0x94: {  	[sflag:s4] =	ssyncset.done $0x0  }
0x95: {  	s17 =	sld [smem:$0x10];
	[sflag:s4] =	ssyncadd.s32 $0xFFFFFFFF  }
0x96: {  	s18 =	sld [smem:$0x11];
	(tm) =	ssettm $0x1  }
0x97: {  	s19 =	sld [smem:$0x3FFB];
	_ =	sdelay $0x3  }
0x98: {  	_ =	strace s19  }
0x99: {  	s5 =	sld [smem:$0x3FFC];
	_ =	sdelay $0x3  }
0x9a: {  	_ =	strace s5  }
0x9b: {  	s5 =	sld [smem:$0x3FFD];
	_ =	sdelay $0x3  }
0x9c: {  	_ =	strace s5  }
0x9d: {  	_ =	strace $0x8FFFFFFF  }
0x9e: {  	s20 =	sld [smem:$0x3FDB];
	_ =	sdelay $0x1  }
0x9f: {  	s6 =	simm.s32 $_scs_section_size  }
0xa0: {  	s7 =	simm.s32 $_size__tile_overlayer_lowered;
	s8 =	simm.s32 $_tile_overlayer_lowered  }
0xa1: {  	s23 =	simm.s32 $0x1BFF;
	s22 =	sshll.u32 s8, $0x1;
	s5 =	sadd.s32 s6, s20  }
0xa2: {  	s9 =	simm.s32 $0x0;
	s21 =	sshll.u32 s7, $0x1;
	s7 =	sadd.s32 s22, s5  }
0xa3: {  	[timem:s9], [sflag:s23] =	dma.local [hbm:s7], s21  }
0xa4: {  	_ =	swait.ge [sflag:s23], s21  }
0xa5: {  	s6 =	ssub.s32 $0x0, s21;
	[sflag:s23] =	ssyncset.done $0x0  }
0xa6: {  	[sflag:s23] =	ssyncadd.s32 s6;
	_ =	sdelay $0x1  }
0xa7: {  	s24 =	simm.s32 $0x1B8B  }
0xa8: {  	_ =	swait.ge [sflag:s24], $0x1  }
0xa9: {  	[sflag:s24] =	ssyncset.done $0x0  }
0xaa: {  	s25 =	simm.s32 $0x1B8E;
	[sflag:s24] =	ssyncadd.s32 $0xFFFFFFFF  }
0xab: {  	s26 =	simm.s32 $execute0_lowered;
	[smem:$0x3FD2] =	sst s25  }
0xac: {  	s6 =	sshll.u32 s26, $0x1;
	_ =	strace $0x80000046;
	[dreg:$0x1] =	wrdreg $0xFFFFFFFF  }
0xad: {  	s28 =	simm.s32 $_size_execute0_lowered;
	s5 =	sadd.s32 s5, s6;
	[dreg:$0x0] =	wrdreg $0x0  }
0xae: {  	s6 =	sshll.u32 s28, $0x1;
	[dreg:$0x2] =	wrdreg s5  }
0xaf: {  	[dreg:$0x3] =	wrdreg s6  }
0xb0: {  	[dreg:$0x4] =	wrdreg $0xC0  }
0xb1: {  	_ =	task [dreg:s9], $0x5FFFF  }
0xb2: {  	[dreg:$0x1] =	wrdreg $0xFFFFFFFF  }
0xb3: {  	[dreg:$0x0] =	wrdreg $0x60  }
0xb4: {  	[dreg:$0x2] =	wrdreg s16  }
0xb5: {  	[dreg:$0x3] =	wrdreg s17  }
0xb6: {  	[dreg:$0x4] =	wrdreg s18  }
0xb7: {  	[dreg:$0x5] =	wrdreg $0x9  }
0xb8: {  	_ =	task.clear_ibuf [dreg:s9], $0x6FFFF;
	_ =	strace $0x90000046  }
0xb9: {  	s29 =	simm.s32 $0x9;
	_ =	strace $0x80000048  }
0xba: {  	_ =	swait.ge [sflag:s29], $0x1  }
0xbb: {  	[sflag:s29] =	ssyncadd.s32 $0xFFFFFFFF  }
0xbc: {  	_ =	strace $0x90000048  }
0xbd: {  	_ =	sfence  }
0xbe: {  	s30 =	sld [smem:$0x0];
	_ =	sdelay $0x2  }
0xbf: {  	s31 =	sshll.u32 s1, $0xD;
	s1 =	sshrl.u32 s1, $0x2  }
0xc0: {  	s3 =	sand.u32 $0x4000, s31;
	s1 =	sadd.s32 s1, s30  }
0xc1: {  	s0 =	sor.u32 s3, s0;
	s1 =	sshll.u32 s1, $0x11  }
0xc2: {  	s0 =	sor.u32 s1, s0  }
0xc3: {  	s0 =	sadd.s32 $0x8F2B, s0  }
0xc4: {  	[sflag:s0] =	ssyncadd.remote.s32 $0x1  }
0xc5: {  	_ =	sfence.sel $0xFFFF  }
0xc6: {  	[dreg:$0x0] =	wrdreg $0xFFFFFFFF;
	(pc) =	sbr.abs _section_cstart, $3  }
0xc7: {  	[dreg:$0x1] =	wrdreg $0xFFFFFFFF  }
0xc8: {  	_ =	task.clear_ibuf [dreg:s9], $0x2FFFF;
	_ =	strace $0x9FFFFFFF  }
0xc9: {  	(tm) =	ssettm $0x7FFFFFFF  }
tec
execute0_lowered:
.L_overlay_start_1:
0x0: {  	(tag) =	ssettag $0x1  }
0x1: {  	s8 =	rddreg [dreg:$0x0]  }
0x2: {  	s0 =	srdreg.scid;
	s3 =	rddreg [dreg:$0x1]  }
0x3: {  	s1 =	stileid.u32;
	s4 =	rddreg [dreg:$0x2];
	s0 =	sand.u32 $0x1, s0  }
0x4: {  	s5 =	simm.s32 $0x0;
	s2 =	sshll.u32 s1, $0x14;
	s6 =	sshll.u32 s0, $0x13  }
0x5: {  	[smem:$0x7FF] =	sst s5;
	s1 =	sor.u32 s6, s2  }
0x6: {  	s28 =	simm.s32 $0x7;
	_ =	strace $0x80000047;
	s2 =	sshrl.u32 s1, $0x2  }
0x7: {  	[dreg:$0x4] =	wrdreg s1;
	s22 =	sshll.u32 s1, $0x1;
	s21 =	sadd.s32 s8, s2  }
0x8: {  	s31 =	simm.s32 $0x4;
	s25 =	sor.u32 $0x8000, s22;
	[dreg:$0x5] =	wrdreg s21  }
0x9: {  	s0 =	ssub.s32 $0x2, s0;
	s26 =	sor.u32 $0xA000, s22;
	[dreg:$0x9] =	wrdreg s25  }
0xa: {  	s7 =	sshrl.u32 s0, $0x1;
	s29 =	sor.u32 $0xC000, s22;
	[dreg:$0xa] =	wrdreg s26  }
0xb: {  	s0 =	ssub.s32 s0, s7;
	s30 =	sor.u32 $0xE000, s22;
	[dreg:$0xb] =	wrdreg s29  }
.Ltmp0:
0xc: {  	s0 =	smax.u32 s0, $0x1;
	[dreg:$0xc] =	wrdreg s30;
	(pc) =	sbr.rel .LBB2_1-.Ltmp0, $4  }
0xd: {  	s1 =	simm.s32 $0x0;
	s2 =	sadd.s32 $0x400, s21;
	[dreg:$0xd] =	wrdreg s0  }
0xe: {  	s22 =	simm.s32 $0x2;
	s23 =	sadd.s32 $0x800, s21;
	[dreg:$0x6] =	wrdreg s2  }
0xf: {  	s24 =	sadd.s32 $0xC00, s21;
	s26 =	simm.s32 $0x3;
	[dreg:$0x7] =	wrdreg s23  }
0x10: {  	v0 =	vimm.f32 $1.000000000e+00;
	[dreg:$0x8] =	wrdreg s24;
	s23 =	simm.s32 $0x6;
	s2 =	simm.s32 $0x8  }
.LBB2_24:
0x11: {  	s0 =	simm.s32 $0x5  }
0x12: {  	_ =	swait.ge [sflag:s0], $0x1000  }
0x13: {  	[sflag:s0] =	ssyncset.done $0x0  }
0x14: {  	[sflag:s0] =	ssyncadd.s32 $0xFFFFF000  }
0x15: {  	_ =	swait.ge [sflag:s0], $0x1000  }
0x16: {  	[sflag:s0] =	ssyncset.done $0x0  }
0x17: {  	[sflag:s0] =	ssyncadd.s32 $0xFFFFF000  }
0x18: {  	_ =	swait.ge [sflag:s23], $0x1000  }
0x19: {  	[sflag:s23] =	ssyncset.done $0x0  }
0x1a: {  	[sflag:s23] =	ssyncadd.s32 $0xFFFFF000  }
0x1b: {  	_ =	swait.ge [sflag:s23], $0x1000  }
0x1c: {  	[sflag:s23] =	ssyncset.done $0x0  }
0x1d: {  	[sflag:s23] =	ssyncadd.s32 $0xFFFFF000  }
0x1e: {  	_ =	swait.ge [sflag:s28], $0x1000  }
0x1f: {  	[sflag:s28] =	ssyncset.done $0x0  }
0x20: {  	[sflag:s28] =	ssyncadd.s32 $0xFFFFF000  }
0x21: {  	_ =	swait.ge [sflag:s28], $0x1000  }
0x22: {  	[sflag:s28] =	ssyncset.done $0x0  }
0x23: {  	[sflag:s28] =	ssyncadd.s32 $0xFFFFF000  }
0x24: {  	_ =	swait.ge [sflag:s2], $0x1000  }
0x25: {  	[sflag:s2] =	ssyncset.done $0x0  }
0x26: {  	[sflag:s2] =	ssyncadd.s32 $0xFFFFF000  }
0x27: {  	_ =	swait.ge [sflag:s2], $0x1000  }
0x28: {  	s1 =	rddreg [dreg:$0xe]  }
0x29: {  	s30 =	rddreg [dreg:$0xd];
	s1 =	sadd.s32 $0x1, s1  }
0x2a: {  	p0 =	sne.s32 s1, s30  }
.Ltmp1:
0x2b: {  	_ = 	snop;
	(pc) =	sbr.rel @!p0 .LBB2_25-.Ltmp1, $3  }
0x2c: {  	_ =	sdelay $0x1  }
0x2d: {  	[sflag:s2] =	ssyncset.done $0x0  }
0x2e: {  	[sflag:s2] =	ssyncadd.s32 $0xFFFFF000  }
.LBB2_1:
0x2f: {  	[dreg:$0xe] =	wrdreg s1  }
0x30: {  	s0 =	rddreg [dreg:$0x5]  }
0x31: {  	[tilespmem:s5], [sflag:$0x1] =	stream.linear.gather [hbm4b:s0+s5], $0x2000, $0x38;
	[tilespmem:$0x10000] =	vst v63  }
0x32: {  	s20 =	rddreg [dreg:$0x6];
	s21 =	simm.s32 $0x2000  }
0x33: {  	[tilespmem:s21], [sflag:$0x2] =	stream.linear.gather [hbm4b:s20+s5], $0x2000, $0x38;
	[tilespmem:$0x10000] =	vst v63  }
0x34: {  	s24 =	rddreg [dreg:$0x7];
	s25 =	simm.s32 $0x4000  }
0x35: {  	[tilespmem:s25], [sflag:$0x3] =	stream.linear.gather [hbm4b:s24+s5], $0x2000, $0x38;
	[tilespmem:$0x10000] =	vst v63  }
0x36: {  	s29 =	rddreg [dreg:$0x8];
	s30 =	simm.s32 $0x6000;
	s15 =	simm.s32 $0x0  }
0x37: {  	[tilespmem:s30], [sflag:$0x4] =	stream.linear.gather [hbm4b:s29+s5], $0x2000, $0x38;
	[tilespmem:$0x10000] =	vst v63  }
.LBB2_2:
0x38: {  	s0 =	simm.s32 $0x1  }
0x39: {  	_ =	swait.ge [sflag:s0], $0x2000  }
0x3a: {  	p0 =	seq.s32 s15, $0x0;
	[sflag:s0] =	ssyncset.done $0x0  }
0x3b: {  	s7 =	simm.s32 @!p0 $0x5;
	[sflag:s0] =	ssyncadd.s32 $0xFFFFE000  }
0x3c: {  	_ =	swait.ge @!p0 [sflag:s7], $0x1000  }
0x3d: {  	[sflag:s7] =	ssyncset.done @!p0 $0x0  }
0x3e: {  	[sflag:s7] =	ssyncadd.s32 @!p0 $0xFFFFF000  }
0x3f: {  	s9 =	simm.s32 $0x0;
	s13 =	simm.s32 $0x0;
	_ =	swait.ge @!p0 [sflag:s7], $0x1000  }
0x40: {  	s10 =	sand.u32 $0x40, s13;
	s9 =	sand.u32 $0x1F00, s9;
	[sflag:s7] =	ssyncset.done @!p0 $0x0  }
0x41: {  	s1 =	sor.u32 s10, s9;
	s16 =	sor.u32 $0x20, s10;
	[sflag:s7] =	ssyncadd.s32 @!p0 $0xFFFFF000  }
0x42: {  	s17 =	sor.u32 $0x30, s10;
	s11 =	sor.u32 s16, s9;
	v1 =	vld [tilespmem:s1+$0x0]  }
0x43: {  	s6 =	sor.u32 s17, s9;
	v2 =	vld [tilespmem:s11+$0x0]  }
0x44: {  	s21 =	sor.u32 $0x10, s10;
	v4 =	vld [tilespmem:s6+$0x0]  }
0x45: {  	s9 =	sor.u32 s21, s9;
	v3 =	vld [tilespmem:s6+$0x80]  }
0x46: {  	v8 =	vld [tilespmem:s9+$0x0]  }
0x47: {  	v5 =	vld [tilespmem:s11+$0x80]  }
0x48: {  	v11 =	vld [tilespmem:s9+$0x80]  }
0x49: {  	s10 =	simm.s32 $0x40;
	v6 =	vld [tilespmem:s1+$0x80];
	s11 =	simm.s32 $0x80;
	vm3 =	vge.f32 v1, $2.000000000e+00  }
0x4a: {  	s8 =	sand.u32 $0x40, s10;
	s20 =	sand.u32 $0x1F00, s11;
	v1 =	vadd.f32 $2.000000000e+00, v1;
	vm0 =	vge.f32 v2, $2.000000000e+00;
	v9 =	vadd.f32 $2.000000000e+00, v2  }
0x4b: {  	s12 =	sor.u32 $0x20, s8;
	s25 =	sor.u32 s8, s20;
	v10 =	vsub.f32 $0.0e+00, v3;
	vm1 =	vge.f32 v3, $0.0e+00;
	v12 =	vadd.f32 $2.000000000e+00, v4  }
0x4c: {  	s30 =	sor.u32 s12, s20;
	v13 =	vld [tilespmem:s25+$0x0];
	v3 =	vadd.f32 $2.000000000e+00, v8;
	vm2 =	vge.f32 v4, $2.000000000e+00;
	v7 =	vsub.f32 $0.0e+00, v5  }
0x4d: {  	s24 =	sand.u32 $0xF80, s13;
	s18 =	sor.u32 $0x30, s8;
	v2 =	vld [tilespmem:s30+$0x0];
	vm4 =	vge.f32 v5, $0.0e+00;
	v14 =	vsub.f32 $0.0e+00, v11;
	v4 =	vsel vm1, $0xBF800000, v0  }
0x4e: {  	s13 =	sor.u32 s24, s17;
	s14 =	sor.u32 s18, s20;
	vm5 =	vge.f32 v11, $0.0e+00;
	vm1 =	vge.f32 v6, $0.0e+00;
	v10 =	vsel vm2, v10, v4;
	v4 =	vld [tilespmem:s25+$0x80]  }
0x4f: {  	s9 =	sor.u32 $0x10, s8;
	v5 =	vld [tilespmem:s14+$0x0];
	v6 =	vsub.f32 $0.0e+00, v6;
	v9 =	vnsel vm0, $0xBF800000, v9;
	v12 =	vnsel vm2, $0xBF800000, v12;
	s25 =	sor.u32 s24, s16;
	[tilespmem:s13+$0x8000] =	vst v10  }
0x50: {  	s20 =	sor.u32 s9, s20;
	vm2 =	vge.f32 v8, $2.000000000e+00;
	v8 =	vsel vm1, $0xBF800000, v0;
	v10 =	vnsel vm3, $0xBF800000, v1;
	[tilespmem:s25+$0xC000] =	vst v9;
	v9 =	vld [tilespmem:s14+$0x80]  }
0x51: {  	s29 =	simm.s32 $0xC000;
	s19 =	simm.s32 $0x8000;
	s17 =	sand.u32 $0xF80, s10;
	[tilespmem:s13+$0xC000] =	vst v12;
	vm1 =	vge.f32 v13, $2.000000000e+00;
	v1 =	vld [tilespmem:s20+$0x0];
	v11 =	vsel vm3, v6, v8;
	v12 =	vsel vm5, $0xBF800000, v0  }
0x52: {  	s7 =	sshll.u32 s15, $0xF;
	s16 =	simm.s32 $0xC040;
	v6 =	vadd.f32 $2.000000000e+00, v13;
	v8 =	vld [tilespmem:s30+$0x80];
	s13 =	simm.s32 $0x8040;
	[tilespmem:s19+$0x0] =	vst v11;
	v11 =	vsel vm2, v14, v12;
	v12 =	vsel vm4, $0xBF800000, v0  }
.LBB2_3:
0x53: {  	s10 =	sadd.s32 $0x40, s10;
	s11 =	sadd.s32 $0x80, s11;
	[tilespmem:s29+$0x0] =	vst v10;
	s21 =	sor.u32 s24, s21;
	v10 =	vnsel vm2, $0xBF800000, v3;
	v3 =	vsel vm0, v7, v12;
	vm0 =	vge.f32 v2, $2.000000000e+00;
	v12 =	vmovc v4  }
0x54: {  	v13 =	vadd.f32 $2.000000000e+00, v2;
	s24 =	sand.u32 $0x40, s10;
	s29 =	sand.u32 $0x1F00, s11;
	s30 =	sand.u32 $0xF80, s10;
	[tilespmem:s25+$0x8000] =	vst v3  }
0x55: {  	s25 =	sor.u32 s24, s29;
	s0 =	sor.u32 $0x10, s24;
	s8 =	sor.u32 $0x20, s24;
	v14 =	vld [tilespmem:s20+$0x80];
	v4 =	vsub.f32 $0.0e+00, v9;
	vm2 =	vge.f32 v9, $0.0e+00;
	v9 =	vadd.f32 $2.000000000e+00, v5;
	[tilespmem:s21+$0x8000] =	vst v11  }
0x56: {  	vm4 =	vge.f32 v5, $2.000000000e+00;
	s6 =	sor.u32 $0x30, s24;
	v11 =	vld [tilespmem:s25+$0x0];
	s20 =	sor.u32 s0, s29;
	s14 =	sor.u32 s8, s29;
	v3 =	vadd.f32 $2.000000000e+00, v1;
	v5 =	vsel vm2, $0xBF800000, v0;
	[tilespmem:s21+$0xC000] =	vst v10  }
0x57: {  	s18 =	sor.u32 s17, s18;
	p1 =	slt.u32 s10, $0xFC0;
	vm5 =	vge.f32 v12, $0.0e+00;
	s24 =	smov.u32 s17;
	v2 =	vld [tilespmem:s14+$0x0];
	v7 =	vsub.f32 $0.0e+00, v8;
	v5 =	vsel vm4, v4, v5  }
.Ltmp2:
0x58: {  	s29 =	sor.u32 s6, s29;
	vm3 =	vge.f32 v8, $0.0e+00;
	v8 =	vnsel vm0, $0xBF800000, v13;
	v13 =	vnsel vm4, $0xBF800000, v9;
	v4 =	vld [tilespmem:s25+$0x80];
	s25 =	sor.u32 s24, s12;
	[tilespmem:s18+$0x8000] =	vst v5;
	(pc) =	sbr.rel @p1 .LBB2_3-.Ltmp2, $4  }
0x59: {  	v12 =	vsub.f32 $0.0e+00, v12;
	s17 =	smov.u32 s30;
	v10 =	vnsel vm1, $0xBF800000, v6;
	vm2 =	vge.f32 v1, $2.000000000e+00;
	s21 =	smov.u32 s9;
	s9 =	smov.u32 s0;
	v5 =	vld [tilespmem:s29+$0x0];
	[tilespmem:s25+$0xC000] =	vst v8  }
0x5a: {  	v6 =	vsel vm5, $0xBF800000, v0;
	s12 =	smov.u32 s8;
	v9 =	vld [tilespmem:s29+$0x80];
	v15 =	vsub.f32 $0.0e+00, v14;
	vm4 =	vge.f32 v14, $0.0e+00;
	[tilespmem:s18+$0xC000] =	vst v13;
	s18 =	smov.u32 s6;
	s29 =	smov.u32 s16  }
0x5b: {  	v12 =	vsel vm1, v12, v6;
	v1 =	vld [tilespmem:s20+$0x0];
	vm1 =	vge.f32 v11, $2.000000000e+00;
	v13 =	vsel vm4, $0xBF800000, v0  }
0x5c: {  	s16 =	sadd.s32 $0x40, s16;
	v6 =	vadd.f32 $2.000000000e+00, v11;
	v8 =	vld [tilespmem:s14+$0x80];
	[tilespmem:s13+$0x0] =	vst v12;
	v11 =	vsel vm2, v15, v13;
	v12 =	vsel vm3, $0xBF800000, v0;
	s13 =	sadd.s32 $0x40, s13  }
0x5d: {  	_ = 	snop  }
0x5e: {  	vm3 =	vge.f32 v2, $2.000000000e+00;
	[tilespmem:s29+$0x0] =	vst v10;
	v7 =	vsel vm0, v7, v12  }
0x5f: {  	s0 =	sor.u32 s24, s21;
	v3 =	vnsel vm2, $0xBF800000, v3;
	[tilespmem:s25+$0x8000] =	vst v7;
	v58 =	vsub.f32 $0.0e+00, v9;
	vm10 =	vge.f32 v9, $0.0e+00  }
0x60: {  	v2 =	vadd.f32 $2.000000000e+00, v2;
	[tilespmem:s0+$0x8000] =	vst v11;
	vm11 =	vge.f32 v5, $2.000000000e+00;
	v60 =	vsel vm10, $0xBF800000, v0  }
0x61: {  	s21 =	sor.u32 s17, s18;
	v61 =	vadd.f32 $2.000000000e+00, v5;
	[tilespmem:s0+$0xC000] =	vst v3;
	v3 =	vsel vm11, v58, v60  }
0x62: {  	v59 =	vld [tilespmem:s20+$0x80];
	vm12 =	vge.f32 v4, $0.0e+00;
	s6 =	sor.u32 s17, s12;
	v2 =	vnsel vm3, $0xBF800000, v2;
	[tilespmem:s21+$0x8000] =	vst v3;
	v3 =	vsub.f32 $0.0e+00, v4  }
0x63: {  	v5 =	vnsel vm11, $0xBF800000, v61;
	[tilespmem:s6+$0xC000] =	vst v2;
	v2 =	vsel vm12, $0xBF800000, v0  }
0x64: {  	v63 =	vsub.f32 $0.0e+00, v8;
	vm13 =	vge.f32 v8, $0.0e+00;
	[tilespmem:s21+$0xC000] =	vst v5;
	v2 =	vsel vm1, v3, v2  }
0x65: {  	v6 =	vnsel vm1, $0xBF800000, v6;
	[tilespmem:s13+$0x0] =	vst v2;
	v2 =	vsel vm13, $0xBF800000, v0  }
0x66: {  	[tilespmem:s16+$0x0] =	vst v6;
	v2 =	vsel vm3, v63, v2  }
0x67: {  	vm14 =	vge.f32 v59, $0.0e+00;
	v3 =	vsub.f32 $0.0e+00, v59;
	[tilespmem:s6+$0x8000] =	vst v2  }
0x68: {  	s24 =	sshll.u32 s15, $0xE;
	v62 =	vadd.f32 $2.000000000e+00, v1;
	vm15 =	vge.f32 v1, $2.000000000e+00;
	v1 =	vsel vm14, $0xBF800000, v0;
	s1 =	rddreg [dreg:$0x4]  }
0x69: {  	s8 =	sor.u32 s17, s9;
	p1 =	sne.s32 s15, $0x1F;
	v1 =	vsel vm15, v3, v1;
	s0 =	sor.u32 s1, s24  }
.Ltmp3:
0x6a: {  	v2 =	vnsel vm15, $0xBF800000, v62;
	[tilespmem:s8+$0x8000] =	vst v1;
	s9 =	sshrl.u32 s0, $0x3;
	(pc) =	sbr.rel @p1 .LBB2_6-.Ltmp3, $4  }
0x6b: {  	s25 =	simm.s32 $0x8000;
	[tilespmem:s8+$0xC000] =	vst v2;
	s0 =	sadd.s32 s3, s9  }
0x6c: {  	[hbm4b:s0+s5] =	stream.linear.scatter [tilespmem:s25], [sflag:$0x5], $0x1000, $0x38;
	[tilespmem:$0x10000] =	vst v63  }
0x6d: {  	s30 =	simm.s32 $0xC000;
	s29 =	sadd.s32 s4, s9  }
0x6e: {  	[hbm4b:s29+s5] =	stream.linear.scatter [tilespmem:s30], [sflag:$0x5], $0x1000, $0x38;
	[tilespmem:$0x10000] =	vst v63  }
.Ltmp4:
0x6f: {  	(pc) =	sbr.rel .LBB2_7-.Ltmp4, $4  }
0x70: {  	_ = 	snop  }
0x71: {  	_ =	swait.ge [sflag:s22], $0x2000  }
0x72: {  	[sflag:s22] =	ssyncset.done $0x0  }
0x73: {  	[sflag:s22] =	ssyncadd.s32 $0xFFFFE000  }
.LBB2_6:
0x74: {  	s0 =	rddreg [dreg:$0x9]  }
0x75: {  	s0 =	sadd.s32 s7, s0  }
0x76: {  	s1 =	rddreg [dreg:$0x0];
	s0 =	sshrl.u32 s0, $0x3  }
.Ltmp5:
0x77: {  	s0 =	sadd.s32 s1, s0;
	(pc) =	sbr.rel @p0 .LBB2_8-.Ltmp5, $4  }
0x78: {  	[tilespmem:s5], [sflag:$0x1] =	stream.linear.gather [hbm4b:s0+s5], $0x2000, $0x38;
	[tilespmem:$0x10000] =	vst v63  }
0x79: {  	_ =	swait.ge [sflag:s22], $0x2000  }
0x7a: {  	[sflag:s22] =	ssyncset.done $0x0  }
0x7b: {  	[sflag:s22] =	ssyncadd.s32 $0xFFFFE000  }
.LBB2_7:
0x7c: {  	_ =	swait.ge [sflag:s23], $0x1000  }
0x7d: {  	[sflag:s23] =	ssyncset.done $0x0  }
0x7e: {  	[sflag:s23] =	ssyncadd.s32 $0xFFFFF000  }
0x7f: {  	_ =	swait.ge [sflag:s23], $0x1000  }
0x80: {  	[sflag:s23] =	ssyncset.done $0x0  }
0x81: {  	[sflag:s23] =	ssyncadd.s32 $0xFFFFF000  }
.LBB2_8:
0x82: {  	s0 =	simm.s32 $0x0  }
0x83: {  	s6 =	simm.s32 $0x0;
	s0 =	sand.u32 $0x1F00, s0  }
0x84: {  	s8 =	sand.u32 $0x40, s6;
	s0 =	sor.u32 $0x2000, s0  }
0x85: {  	s11 =	sor.u32 $0x20, s8;
	s10 =	sor.u32 s8, s0  }
0x86: {  	s18 =	sor.u32 $0x30, s8;
	s12 =	sor.u32 s11, s0;
	v1 =	vld [tilespmem:s10+$0x80]  }
0x87: {  	s13 =	sor.u32 s18, s0;
	v2 =	vld [tilespmem:s12+$0x0]  }
0x88: {  	v7 =	vld [tilespmem:s13+$0x0]  }
0x89: {  	v3 =	vld [tilespmem:s10+$0x0]  }
0x8a: {  	s8 =	sor.u32 $0x10, s8;
	v6 =	vld [tilespmem:s13+$0x80]  }
0x8b: {  	s0 =	sor.u32 s8, s0;
	v9 =	vld [tilespmem:s12+$0x80]  }
0x8c: {  	v4 =	vld [tilespmem:s0+$0x0]  }
0x8d: {  	s21 =	simm.s32 $0x80;
	v5 =	vld [tilespmem:s0+$0x80]  }
0x8e: {  	s17 =	simm.s32 $0x40;
	s0 =	sand.u32 $0x1F00, s21;
	v8 =	vsub.f32 $0.0e+00, v1;
	vm0 =	vge.f32 v1, $0.0e+00  }
0x8f: {  	s14 =	sand.u32 $0x40, s17;
	s0 =	sor.u32 $0x2000, s0;
	v11 =	vadd.f32 $2.000000000e+00, v2;
	vm2 =	vge.f32 v2, $2.000000000e+00;
	vm3 =	vge.f32 v7, $2.000000000e+00  }
0x90: {  	s12 =	sor.u32 $0x20, s14;
	s20 =	sor.u32 s14, s0;
	v13 =	vsub.f32 $0.0e+00, v6;
	v14 =	vsub.f32 $0.0e+00, v9;
	vm5 =	vge.f32 v6, $0.0e+00  }
0x91: {  	s10 =	sor.u32 $0x30, s14;
	s13 =	sor.u32 s12, s0;
	v12 =	vld [tilespmem:s20+$0x80];
	vm14 =	vge.f32 v9, $0.0e+00;
	v10 =	vsel vm0, $0xBF800000, v0;
	v1 =	vadd.f32 $2.000000000e+00, v4  }
0x92: {  	s16 =	sor.u32 $0x10, s14;
	s24 =	sor.u32 s10, s0;
	v2 =	vld [tilespmem:s13+$0x0];
	vm0 =	vge.f32 v3, $2.000000000e+00;
	vm1 =	vge.f32 v4, $2.000000000e+00;
	vm4 =	vge.f32 v5, $0.0e+00  }
0x93: {  	s6 =	sand.u32 $0xF80, s6;
	s21 =	simm.s32 $0x9000;
	s0 =	sor.u32 s16, s0;
	v4 =	vld [tilespmem:s24+$0x0];
	v8 =	vsel vm0, v8, v10;
	v10 =	vnsel vm2, $0xBF800000, v11;
	v11 =	vsub.f32 $0.0e+00, v5  }
0x94: {  	s25 =	sor.u32 s6, s11;
	v6 =	vld [tilespmem:s0+$0x0];
	v3 =	vadd.f32 $2.000000000e+00, v3;
	v15 =	vsel vm5, $0xBF800000, v0;
	[tilespmem:s21+$0x0] =	vst v8;
	v8 =	vsel vm4, $0xBF800000, v0  }
0x95: {  	s29 =	sor.u32 s6, s8;
	v5 =	vld [tilespmem:s20+$0x0];
	[tilespmem:s25+$0xD000] =	vst v10;
	v10 =	vsel vm14, $0xBF800000, v0;
	v8 =	vsel vm1, v11, v8;
	v11 =	vadd.f32 $2.000000000e+00, v7  }
0x96: {  	s11 =	simm.s32 $0xD000;
	s30 =	sor.u32 s6, s18;
	s18 =	simm.s32 $0x9040;
	v9 =	vsub.f32 $0.0e+00, v12;
	vm15 =	vge.f32 v12, $0.0e+00;
	v7 =	vld [tilespmem:s0+$0x80];
	v12 =	vsel vm2, v14, v10;
	[tilespmem:s29+$0x9000] =	vst v8  }
0x97: {  	s20 =	simm.s32 $0x100;
	s21 =	simm.s32 $0xD000;
	v10 =	vsel vm15, $0xBF800000, v0;
	v8 =	vld [tilespmem:s24+$0x80];
	[tilespmem:s25+$0x9000] =	vst v12;
	v12 =	vsel vm3, v13, v15;
	s25 =	simm.s32 $0x40;
	v11 =	vnsel vm3, $0xBF800000, v11  }
.LBB2_9:
0x98: {  	s17 =	sadd.s32 $0x40, s17;
	s0 =	sand.u32 $0x1F00, s20;
	v13 =	vld [tilespmem:s13+$0x80];
	v14 =	vnsel vm0, $0xBF800000, v3;
	v3 =	vnsel vm1, $0xBF800000, v1;
	[tilespmem:s30+$0x9000] =	vst v12;
	s11 =	sadd.s32 $0x40, s11;
	v12 =	vmov v4  }
0x99: {  	s24 =	sand.u32 $0xF80, s25;
	v4 =	vadd.f32 $2.000000000e+00, v2;
	s6 =	sand.u32 $0x40, s17;
	s0 =	sor.u32 $0x2000, s0;
	v1 =	vadd.f32 $2.000000000e+00, v6;
	[tilespmem:s29+$0xD000] =	vst v3  }
0x9a: {  	vm2 =	vge.f32 v2, $2.000000000e+00;
	s8 =	sor.u32 s6, s0;
	s14 =	sor.u32 $0x10, s6;
	s29 =	sor.u32 $0x20, s6;
	vm0 =	vge.f32 v5, $2.000000000e+00;
	v3 =	vadd.f32 $2.000000000e+00, v5;
	[tilespmem:s30+$0xD000] =	vst v11  }
0x9b: {  	vm1 =	vge.f32 v6, $2.000000000e+00;
	s6 =	sor.u32 $0x30, s6;
	v6 =	vnsel vm2, $0xBF800000, v4;
	v11 =	vld [tilespmem:s8+$0x80];
	s30 =	sor.u32 s14, s0;
	s13 =	sor.u32 s29, s0;
	v5 =	vsel vm0, v9, v10;
	[tilespmem:s21+$0x0] =	vst v14  }
0x9c: {  	p2 =	slt.u32 s17, $0xFC0;
	s1 =	sor.u32 s24, s12;
	vm3 =	vge.f32 v12, $2.000000000e+00;
	s0 =	sor.u32 s6, s0;
	v9 =	vsub.f32 $0.0e+00, v7;
	v2 =	vld [tilespmem:s13+$0x0];
	[tilespmem:s18+$0x0] =	vst v5;
	v14 =	vsub.f32 $0.0e+00, v8  }
.Ltmp6:
0x9d: {  	s25 =	smov.u32 s17;
	vm4 =	vge.f32 v7, $0.0e+00;
	s21 =	smov.u32 s11;
	vm5 =	vge.f32 v8, $0.0e+00;
	v4 =	vld [tilespmem:s0+$0x0];
	v10 =	vsub.f32 $0.0e+00, v13;
	[tilespmem:s1+$0xD000] =	vst v6;
	(pc) =	sbr.rel @p2 .LBB2_9-.Ltmp6, $4  }
0x9e: {  	s19 =	smov.u32 s10;
	s12 =	smov.u32 s29;
	s10 =	smov.u32 s6;
	v7 =	vsel vm4, $0xBF800000, v0;
	vm4 =	vge.f32 v13, $0.0e+00;
	v13 =	vsel vm5, $0xBF800000, v0;
	v6 =	vld [tilespmem:s30+$0x0]  }
0x9f: {  	v16 =	vadd.f32 $2.000000000e+00, v12;
	s29 =	sor.u32 s24, s16;
	s16 =	smov.u32 s14;
	v8 =	vsel vm1, v9, v7;
	v15 =	vsel vm4, $0xBF800000, v0;
	v5 =	vld [tilespmem:s8+$0x0]  }
0xa0: {  	v9 =	vsub.f32 $0.0e+00, v11;
	vm4 =	vge.f32 v11, $0.0e+00;
	v7 =	vld [tilespmem:s30+$0x80];
	[tilespmem:s29+$0x9000] =	vst v8;
	v11 =	vsel vm2, v10, v15  }
0xa1: {  	s20 =	sadd.s32 $0x80, s20;
	s18 =	sadd.s32 $0x40, s18;
	v12 =	vsel vm3, v14, v13;
	s30 =	sor.u32 s24, s19;
	v10 =	vsel vm4, $0xBF800000, v0;
	v8 =	vld [tilespmem:s0+$0x80];
	[tilespmem:s1+$0x9000] =	vst v11;
	v11 =	vnsel vm3, $0xBF800000, v16  }
0xa2: {  	v13 =	vld [tilespmem:s13+$0x80];
	v3 =	vnsel vm0, $0xBF800000, v3;
	v1 =	vnsel vm1, $0xBF800000, v1;
	[tilespmem:s30+$0x9000] =	vst v12  }
0xa3: {  	v60 =	vadd.f32 $2.000000000e+00, v2;
	vm13 =	vge.f32 v2, $2.000000000e+00;
	[tilespmem:s30+$0xD000] =	vst v11;
	vm15 =	vge.f32 v4, $2.000000000e+00  }
0xa4: {  	s0 =	sand.u32 $0xF80, s25;
	v14 =	vadd.f32 $2.000000000e+00, v6;
	[tilespmem:s29+$0xD000] =	vst v1;
	vm2 =	vge.f32 v6, $2.000000000e+00;
	vm12 =	vge.f32 v5, $2.000000000e+00  }
0xa5: {  	[tilespmem:s21+$0x0] =	vst v3;
	s1 =	sor.u32 s0, s12;
	v2 =	vnsel vm13, $0xBF800000, v60;
	v1 =	vsel vm12, v9, v10;
	v3 =	vsub.f32 $0.0e+00, v7  }
0xa6: {  	vm3 =	vge.f32 v7, $0.0e+00;
	[tilespmem:s1+$0xD000] =	vst v2;
	v63 =	vnsel vm2, $0xBF800000, v14;
	v61 =	vsub.f32 $0.0e+00, v8  }
0xa7: {  	s6 =	sor.u32 s0, s16;
	[tilespmem:s18+$0x0] =	vst v1;
	v7 =	vsel vm3, $0xBF800000, v0;
	v1 =	vsub.f32 $0.0e+00, v13;
	vm14 =	vge.f32 v13, $0.0e+00  }
0xa8: {  	vm4 =	vge.f32 v8, $0.0e+00;
	[tilespmem:s6+$0xD000] =	vst v63;
	v2 =	vsel vm2, v3, v7;
	v3 =	vsel vm14, $0xBF800000, v0  }
0xa9: {  	v62 =	vsel vm4, $0xBF800000, v0;
	[tilespmem:s6+$0x9000] =	vst v2;
	v2 =	vadd.f32 $2.000000000e+00, v4;
	v1 =	vsel vm13, v1, v3  }
0xaa: {  	s0 =	sor.u32 s0, s10;
	v3 =	vadd.f32 $2.000000000e+00, v5;
	[tilespmem:s1+$0x9000] =	vst v1;
	v1 =	vsel vm15, v61, v62  }
0xab: {  	[tilespmem:s0+$0x9000] =	vst v1;
	v1 =	vnsel vm15, $0xBF800000, v2  }
.Ltmp7:
0xac: {  	s24 =	sor.u32 $0x200, s9;
	s21 =	sadd.s32 $0x40, s11;
	v2 =	vnsel vm12, $0xBF800000, v3;
	[tilespmem:s0+$0xD000] =	vst v1;
	(pc) =	sbr.rel @p1 .LBB2_12-.Ltmp7, $4  }
0xad: {  	s25 =	sadd.s32 s3, s24;
	s29 =	simm.s32 $0x9000;
	[tilespmem:s21+$0x0] =	vst v2  }
0xae: {  	[hbm4b:s25+s5] =	stream.linear.scatter [tilespmem:s29], [sflag:$0x6], $0x1000, $0x38;
	[tilespmem:$0x10000] =	vst v63  }
0xaf: {  	s30 =	simm.s32 $0xD000;
	s0 =	sadd.s32 s4, s24  }
0xb0: {  	[hbm4b:s0+s5] =	stream.linear.scatter [tilespmem:s30], [sflag:$0x6], $0x1000, $0x38;
	[tilespmem:$0x10000] =	vst v63  }
.Ltmp8:
0xb1: {  	(pc) =	sbr.rel .LBB2_13-.Ltmp8, $4  }
0xb2: {  	_ = 	snop  }
0xb3: {  	_ =	swait.ge [sflag:s26], $0x2000  }
0xb4: {  	[sflag:s26] =	ssyncset.done $0x0  }
0xb5: {  	[sflag:s26] =	ssyncadd.s32 $0xFFFFE000  }
.LBB2_12:
0xb6: {  	s0 =	rddreg [dreg:$0xa]  }
0xb7: {  	s0 =	sadd.s32 s7, s0  }
0xb8: {  	s1 =	rddreg [dreg:$0x0];
	s0 =	sshrl.u32 s0, $0x3  }
.Ltmp9:
0xb9: {  	s30 =	simm.s32 $0x2000;
	s0 =	sadd.s32 s1, s0;
	(pc) =	sbr.rel @p0 .LBB2_14-.Ltmp9, $4  }
0xba: {  	[tilespmem:s30], [sflag:$0x2] =	stream.linear.gather [hbm4b:s0+s5], $0x2000, $0x38;
	[tilespmem:$0x10000] =	vst v63  }
0xbb: {  	_ =	swait.ge [sflag:s26], $0x2000  }
0xbc: {  	[sflag:s26] =	ssyncset.done $0x0  }
0xbd: {  	[sflag:s26] =	ssyncadd.s32 $0xFFFFE000  }
.LBB2_13:
0xbe: {  	_ =	swait.ge [sflag:s28], $0x1000  }
0xbf: {  	[sflag:s28] =	ssyncset.done $0x0  }
0xc0: {  	[sflag:s28] =	ssyncadd.s32 $0xFFFFF000  }
0xc1: {  	_ =	swait.ge [sflag:s28], $0x1000  }
0xc2: {  	[sflag:s28] =	ssyncset.done $0x0  }
0xc3: {  	[sflag:s28] =	ssyncadd.s32 $0xFFFFF000  }
.LBB2_14:
0xc4: {  	s0 =	simm.s32 $0x0  }
0xc5: {  	s1 =	simm.s32 $0x0;
	s0 =	sand.u32 $0x1F00, s0  }
0xc6: {  	s6 =	sand.u32 $0x40, s1;
	s0 =	sor.u32 $0x4000, s0  }
0xc7: {  	s11 =	sor.u32 $0x20, s6;
	s8 =	sor.u32 s6, s0  }
0xc8: {  	s18 =	sor.u32 $0x30, s6;
	s10 =	sor.u32 s11, s0;
	v1 =	vld [tilespmem:s8+$0x80]  }
0xc9: {  	s12 =	sor.u32 s18, s0;
	v2 =	vld [tilespmem:s10+$0x0]  }
0xca: {  	v7 =	vld [tilespmem:s12+$0x0]  }
0xcb: {  	v3 =	vld [tilespmem:s8+$0x0]  }
0xcc: {  	s6 =	sor.u32 $0x10, s6;
	v6 =	vld [tilespmem:s12+$0x80]  }
0xcd: {  	s0 =	sor.u32 s6, s0;
	v9 =	vld [tilespmem:s10+$0x80]  }
0xce: {  	v4 =	vld [tilespmem:s0+$0x0]  }
0xcf: {  	s20 =	simm.s32 $0x80;
	v5 =	vld [tilespmem:s0+$0x80]  }
0xd0: {  	s17 =	simm.s32 $0x40;
	s0 =	sand.u32 $0x1F00, s20;
	v8 =	vsub.f32 $0.0e+00, v1;
	vm0 =	vge.f32 v1, $0.0e+00  }
0xd1: {  	s21 =	sand.u32 $0x40, s17;
	s0 =	sor.u32 $0x4000, s0;
	v11 =	vadd.f32 $2.000000000e+00, v2;
	vm2 =	vge.f32 v2, $2.000000000e+00;
	vm3 =	vge.f32 v7, $2.000000000e+00  }
0xd2: {  	s12 =	sor.u32 $0x20, s21;
	s14 =	sor.u32 s21, s0;
	v13 =	vsub.f32 $0.0e+00, v6;
	v14 =	vsub.f32 $0.0e+00, v9;
	vm5 =	vge.f32 v6, $0.0e+00  }
0xd3: {  	s10 =	sor.u32 $0x30, s21;
	s13 =	sor.u32 s12, s0;
	v12 =	vld [tilespmem:s14+$0x80];
	vm14 =	vge.f32 v9, $0.0e+00;
	v10 =	vsel vm0, $0xBF800000, v0;
	v1 =	vadd.f32 $2.000000000e+00, v4  }
0xd4: {  	s16 =	sor.u32 $0x10, s21;
	s24 =	sor.u32 s10, s0;
	v2 =	vld [tilespmem:s13+$0x0];
	vm0 =	vge.f32 v3, $2.000000000e+00;
	vm1 =	vge.f32 v4, $2.000000000e+00;
	vm4 =	vge.f32 v5, $0.0e+00  }
0xd5: {  	s19 =	simm.s32 $0xA000;
	s1 =	sand.u32 $0xF80, s1;
	s0 =	sor.u32 s16, s0;
	v4 =	vld [tilespmem:s24+$0x0];
	v8 =	vsel vm0, v8, v10;
	v10 =	vnsel vm2, $0xBF800000, v11;
	v11 =	vsub.f32 $0.0e+00, v5  }
0xd6: {  	s25 =	sor.u32 s1, s11;
	v6 =	vld [tilespmem:s0+$0x0];
	v3 =	vadd.f32 $2.000000000e+00, v3;
	v15 =	vsel vm5, $0xBF800000, v0;
	[tilespmem:s19+$0x0] =	vst v8;
	v8 =	vsel vm4, $0xBF800000, v0  }
0xd7: {  	s29 =	sor.u32 s1, s6;
	v5 =	vld [tilespmem:s14+$0x0];
	[tilespmem:s25+$0xE000] =	vst v10;
	v10 =	vsel vm14, $0xBF800000, v0;
	v8 =	vsel vm1, v11, v8;
	v11 =	vadd.f32 $2.000000000e+00, v7  }
0xd8: {  	s11 =	simm.s32 $0xE000;
	s30 =	sor.u32 s1, s18;
	s18 =	simm.s32 $0xA040;
	v9 =	vsub.f32 $0.0e+00, v12;
	vm15 =	vge.f32 v12, $0.0e+00;
	v7 =	vld [tilespmem:s0+$0x80];
	v12 =	vsel vm2, v14, v10;
	[tilespmem:s29+$0xA000] =	vst v8  }
0xd9: {  	s20 =	simm.s32 $0x100;
	s21 =	simm.s32 $0xE000;
	v10 =	vsel vm15, $0xBF800000, v0;
	v8 =	vld [tilespmem:s24+$0x80];
	[tilespmem:s25+$0xA000] =	vst v12;
	v12 =	vsel vm3, v13, v15;
	s25 =	simm.s32 $0x40;
	v11 =	vnsel vm3, $0xBF800000, v11  }
.LBB2_15:
0xda: {  	s17 =	sadd.s32 $0x40, s17;
	s0 =	sand.u32 $0x1F00, s20;
	v13 =	vld [tilespmem:s13+$0x80];
	v14 =	vnsel vm0, $0xBF800000, v3;
	v3 =	vnsel vm1, $0xBF800000, v1;
	[tilespmem:s30+$0xA000] =	vst v12;
	s11 =	sadd.s32 $0x40, s11;
	v12 =	vmov v4  }
0xdb: {  	s24 =	sand.u32 $0xF80, s25;
	v4 =	vadd.f32 $2.000000000e+00, v2;
	s1 =	sand.u32 $0x40, s17;
	s0 =	sor.u32 $0x4000, s0;
	v1 =	vadd.f32 $2.000000000e+00, v6;
	[tilespmem:s29+$0xE000] =	vst v3  }
0xdc: {  	vm2 =	vge.f32 v2, $2.000000000e+00;
	s6 =	sor.u32 s1, s0;
	s8 =	sor.u32 $0x10, s1;
	s14 =	sor.u32 $0x20, s1;
	vm0 =	vge.f32 v5, $2.000000000e+00;
	v3 =	vadd.f32 $2.000000000e+00, v5;
	[tilespmem:s30+$0xE000] =	vst v11  }
0xdd: {  	vm1 =	vge.f32 v6, $2.000000000e+00;
	s1 =	sor.u32 $0x30, s1;
	v6 =	vnsel vm2, $0xBF800000, v4;
	v11 =	vld [tilespmem:s6+$0x80];
	s19 =	sor.u32 s8, s0;
	s13 =	sor.u32 s14, s0;
	v5 =	vsel vm0, v9, v10;
	[tilespmem:s21+$0x0] =	vst v14  }
0xde: {  	p2 =	slt.u32 s17, $0xFC0;
	vm3 =	vge.f32 v12, $2.000000000e+00;
	s30 =	sor.u32 s24, s12;
	s0 =	sor.u32 s1, s0;
	v9 =	vsub.f32 $0.0e+00, v7;
	v2 =	vld [tilespmem:s13+$0x0];
	[tilespmem:s18+$0x0] =	vst v5;
	v14 =	vsub.f32 $0.0e+00, v8  }
.Ltmp10:
0xdf: {  	s25 =	smov.u32 s17;
	vm4 =	vge.f32 v7, $0.0e+00;
	s21 =	smov.u32 s11;
	vm5 =	vge.f32 v8, $0.0e+00;
	v4 =	vld [tilespmem:s0+$0x0];
	v10 =	vsub.f32 $0.0e+00, v13;
	[tilespmem:s30+$0xE000] =	vst v6;
	(pc) =	sbr.rel @p2 .LBB2_15-.Ltmp10, $4  }
0xe0: {  	s12 =	smov.u32 s14;
	s14 =	smov.u32 s10;
	s10 =	smov.u32 s1;
	v7 =	vsel vm4, $0xBF800000, v0;
	vm4 =	vge.f32 v13, $0.0e+00;
	v13 =	vsel vm5, $0xBF800000, v0;
	v6 =	vld [tilespmem:s19+$0x0]  }
0xe1: {  	s29 =	sor.u32 s24, s16;
	v16 =	vadd.f32 $2.000000000e+00, v12;
	s16 =	smov.u32 s8;
	v8 =	vsel vm1, v9, v7;
	v15 =	vsel vm4, $0xBF800000, v0;
	v5 =	vld [tilespmem:s6+$0x0]  }
0xe2: {  	v9 =	vsub.f32 $0.0e+00, v11;
	vm4 =	vge.f32 v11, $0.0e+00;
	v7 =	vld [tilespmem:s19+$0x80];
	[tilespmem:s29+$0xA000] =	vst v8;
	v11 =	vsel vm2, v10, v15  }
0xe3: {  	s20 =	sadd.s32 $0x80, s20;
	s18 =	sadd.s32 $0x40, s18;
	v12 =	vsel vm3, v14, v13;
	v10 =	vsel vm4, $0xBF800000, v0;
	v8 =	vld [tilespmem:s0+$0x80];
	[tilespmem:s30+$0xA000] =	vst v11;
	s30 =	sor.u32 s24, s14;
	v11 =	vnsel vm3, $0xBF800000, v16  }
0xe4: {  	v13 =	vld [tilespmem:s13+$0x80];
	v3 =	vnsel vm0, $0xBF800000, v3;
	v1 =	vnsel vm1, $0xBF800000, v1;
	[tilespmem:s30+$0xA000] =	vst v12  }
0xe5: {  	v60 =	vadd.f32 $2.000000000e+00, v2;
	vm13 =	vge.f32 v2, $2.000000000e+00;
	[tilespmem:s30+$0xE000] =	vst v11;
	vm15 =	vge.f32 v4, $2.000000000e+00  }
0xe6: {  	s0 =	sand.u32 $0xF80, s25;
	v14 =	vadd.f32 $2.000000000e+00, v6;
	[tilespmem:s29+$0xE000] =	vst v1;
	vm2 =	vge.f32 v6, $2.000000000e+00;
	vm12 =	vge.f32 v5, $2.000000000e+00  }
0xe7: {  	[tilespmem:s21+$0x0] =	vst v3;
	s1 =	sor.u32 s0, s12;
	v2 =	vnsel vm13, $0xBF800000, v60;
	v1 =	vsel vm12, v9, v10;
	v3 =	vsub.f32 $0.0e+00, v7  }
0xe8: {  	vm3 =	vge.f32 v7, $0.0e+00;
	[tilespmem:s1+$0xE000] =	vst v2;
	v63 =	vnsel vm2, $0xBF800000, v14;
	v61 =	vsub.f32 $0.0e+00, v8  }
0xe9: {  	s6 =	sor.u32 s0, s16;
	[tilespmem:s18+$0x0] =	vst v1;
	v7 =	vsel vm3, $0xBF800000, v0;
	v1 =	vsub.f32 $0.0e+00, v13;
	vm14 =	vge.f32 v13, $0.0e+00  }
0xea: {  	vm4 =	vge.f32 v8, $0.0e+00;
	[tilespmem:s6+$0xE000] =	vst v63;
	v2 =	vsel vm2, v3, v7;
	v3 =	vsel vm14, $0xBF800000, v0  }
0xeb: {  	v62 =	vsel vm4, $0xBF800000, v0;
	[tilespmem:s6+$0xA000] =	vst v2;
	v2 =	vadd.f32 $2.000000000e+00, v4;
	v1 =	vsel vm13, v1, v3  }
0xec: {  	s0 =	sor.u32 s0, s10;
	v3 =	vadd.f32 $2.000000000e+00, v5;
	[tilespmem:s1+$0xA000] =	vst v1;
	v1 =	vsel vm15, v61, v62  }
0xed: {  	[tilespmem:s0+$0xA000] =	vst v1;
	v1 =	vnsel vm15, $0xBF800000, v2  }
.Ltmp11:
0xee: {  	s24 =	sor.u32 $0x400, s9;
	s21 =	sadd.s32 $0x40, s11;
	v2 =	vnsel vm12, $0xBF800000, v3;
	[tilespmem:s0+$0xE000] =	vst v1;
	(pc) =	sbr.rel @p1 .LBB2_18-.Ltmp11, $4  }
0xef: {  	s25 =	sadd.s32 s3, s24;
	s29 =	simm.s32 $0xA000;
	[tilespmem:s21+$0x0] =	vst v2  }
0xf0: {  	[hbm4b:s25+s5] =	stream.linear.scatter [tilespmem:s29], [sflag:$0x7], $0x1000, $0x38;
	[tilespmem:$0x10000] =	vst v63  }
0xf1: {  	s30 =	simm.s32 $0xE000;
	s0 =	sadd.s32 s4, s24  }
0xf2: {  	[hbm4b:s0+s5] =	stream.linear.scatter [tilespmem:s30], [sflag:$0x7], $0x1000, $0x38;
	[tilespmem:$0x10000] =	vst v63  }
.Ltmp12:
0xf3: {  	(pc) =	sbr.rel .LBB2_19-.Ltmp12, $4  }
0xf4: {  	_ = 	snop  }
0xf5: {  	_ =	swait.ge [sflag:s31], $0x2000  }
0xf6: {  	[sflag:s31] =	ssyncset.done $0x0  }
0xf7: {  	[sflag:s31] =	ssyncadd.s32 $0xFFFFE000  }
.LBB2_18:
0xf8: {  	s0 =	rddreg [dreg:$0xb]  }
0xf9: {  	s0 =	sadd.s32 s7, s0  }
0xfa: {  	s1 =	rddreg [dreg:$0x0];
	s0 =	sshrl.u32 s0, $0x3  }
.Ltmp13:
0xfb: {  	s30 =	simm.s32 $0x4000;
	s0 =	sadd.s32 s1, s0;
	(pc) =	sbr.rel @p0 .LBB2_20-.Ltmp13, $4  }
0xfc: {  	[tilespmem:s30], [sflag:$0x3] =	stream.linear.gather [hbm4b:s0+s5], $0x2000, $0x38;
	[tilespmem:$0x10000] =	vst v63  }
0xfd: {  	_ =	swait.ge [sflag:s31], $0x2000  }
0xfe: {  	[sflag:s31] =	ssyncset.done $0x0  }
0xff: {  	[sflag:s31] =	ssyncadd.s32 $0xFFFFE000  }
.LBB2_19:
0x100: {  	_ =	swait.ge [sflag:s2], $0x1000  }
0x101: {  	[sflag:s2] =	ssyncset.done $0x0  }
0x102: {  	[sflag:s2] =	ssyncadd.s32 $0xFFFFF000  }
0x103: {  	_ =	swait.ge [sflag:s2], $0x1000  }
0x104: {  	[sflag:s2] =	ssyncset.done $0x0  }
0x105: {  	[sflag:s2] =	ssyncadd.s32 $0xFFFFF000  }
.LBB2_20:
0x106: {  	s0 =	simm.s32 $0x0  }
0x107: {  	s1 =	simm.s32 $0x0;
	s0 =	sand.u32 $0x1F00, s0  }
0x108: {  	s6 =	sand.u32 $0x40, s1;
	s0 =	sor.u32 $0x6000, s0  }
0x109: {  	s11 =	sor.u32 $0x20, s6;
	s8 =	sor.u32 s6, s0  }
0x10a: {  	s18 =	sor.u32 $0x30, s6;
	s10 =	sor.u32 s11, s0;
	v1 =	vld [tilespmem:s8+$0x80]  }
0x10b: {  	s12 =	sor.u32 s18, s0;
	v2 =	vld [tilespmem:s10+$0x0]  }
0x10c: {  	v7 =	vld [tilespmem:s12+$0x0]  }
0x10d: {  	v3 =	vld [tilespmem:s8+$0x0]  }
0x10e: {  	s6 =	sor.u32 $0x10, s6;
	v6 =	vld [tilespmem:s12+$0x80]  }
0x10f: {  	s0 =	sor.u32 s6, s0;
	v9 =	vld [tilespmem:s10+$0x80]  }
0x110: {  	v4 =	vld [tilespmem:s0+$0x0]  }
0x111: {  	s20 =	simm.s32 $0x80;
	v5 =	vld [tilespmem:s0+$0x80]  }
0x112: {  	s17 =	simm.s32 $0x40;
	s0 =	sand.u32 $0x1F00, s20;
	v8 =	vsub.f32 $0.0e+00, v1;
	vm0 =	vge.f32 v1, $0.0e+00  }
0x113: {  	s21 =	sand.u32 $0x40, s17;
	s0 =	sor.u32 $0x6000, s0;
	v11 =	vadd.f32 $2.000000000e+00, v2;
	vm2 =	vge.f32 v2, $2.000000000e+00;
	vm3 =	vge.f32 v7, $2.000000000e+00  }
0x114: {  	s12 =	sor.u32 $0x20, s21;
	s14 =	sor.u32 s21, s0;
	v13 =	vsub.f32 $0.0e+00, v6;
	v14 =	vsub.f32 $0.0e+00, v9;
	vm5 =	vge.f32 v6, $0.0e+00  }
0x115: {  	s10 =	sor.u32 $0x30, s21;
	s13 =	sor.u32 s12, s0;
	v12 =	vld [tilespmem:s14+$0x80];
	vm14 =	vge.f32 v9, $0.0e+00;
	v10 =	vsel vm0, $0xBF800000, v0;
	v1 =	vadd.f32 $2.000000000e+00, v4  }
0x116: {  	s16 =	sor.u32 $0x10, s21;
	s24 =	sor.u32 s10, s0;
	v2 =	vld [tilespmem:s13+$0x0];
	vm0 =	vge.f32 v3, $2.000000000e+00;
	vm1 =	vge.f32 v4, $2.000000000e+00;
	vm4 =	vge.f32 v5, $0.0e+00  }
0x117: {  	s19 =	simm.s32 $0xB000;
	s1 =	sand.u32 $0xF80, s1;
	s0 =	sor.u32 s16, s0;
	v4 =	vld [tilespmem:s24+$0x0];
	v8 =	vsel vm0, v8, v10;
	v10 =	vnsel vm2, $0xBF800000, v11;
	v11 =	vsub.f32 $0.0e+00, v5  }
0x118: {  	s25 =	sor.u32 s1, s11;
	v6 =	vld [tilespmem:s0+$0x0];
	v3 =	vadd.f32 $2.000000000e+00, v3;
	v15 =	vsel vm5, $0xBF800000, v0;
	[tilespmem:s19+$0x0] =	vst v8;
	v8 =	vsel vm4, $0xBF800000, v0  }
0x119: {  	s29 =	sor.u32 s1, s6;
	v5 =	vld [tilespmem:s14+$0x0];
	[tilespmem:s25+$0xF000] =	vst v10;
	v10 =	vsel vm14, $0xBF800000, v0;
	v8 =	vsel vm1, v11, v8;
	v11 =	vadd.f32 $2.000000000e+00, v7  }
0x11a: {  	s11 =	simm.s32 $0xF000;
	s30 =	sor.u32 s1, s18;
	s18 =	simm.s32 $0xB040;
	v9 =	vsub.f32 $0.0e+00, v12;
	vm15 =	vge.f32 v12, $0.0e+00;
	v7 =	vld [tilespmem:s0+$0x80];
	v12 =	vsel vm2, v14, v10;
	[tilespmem:s29+$0xB000] =	vst v8  }
0x11b: {  	s20 =	simm.s32 $0x100;
	s21 =	simm.s32 $0xF000;
	v10 =	vsel vm15, $0xBF800000, v0;
	v8 =	vld [tilespmem:s24+$0x80];
	[tilespmem:s25+$0xB000] =	vst v12;
	v12 =	vsel vm3, v13, v15;
	s25 =	simm.s32 $0x40;
	v11 =	vnsel vm3, $0xBF800000, v11  }
.LBB2_21:
0x11c: {  	s17 =	sadd.s32 $0x40, s17;
	s0 =	sand.u32 $0x1F00, s20;
	v13 =	vld [tilespmem:s13+$0x80];
	v14 =	vnsel vm0, $0xBF800000, v3;
	v3 =	vnsel vm1, $0xBF800000, v1;
	[tilespmem:s30+$0xB000] =	vst v12;
	s11 =	sadd.s32 $0x40, s11;
	v12 =	vmov v4  }
0x11d: {  	s24 =	sand.u32 $0xF80, s25;
	v4 =	vadd.f32 $2.000000000e+00, v2;
	s1 =	sand.u32 $0x40, s17;
	s0 =	sor.u32 $0x6000, s0;
	v1 =	vadd.f32 $2.000000000e+00, v6;
	[tilespmem:s29+$0xF000] =	vst v3  }
0x11e: {  	vm2 =	vge.f32 v2, $2.000000000e+00;
	s6 =	sor.u32 s1, s0;
	s8 =	sor.u32 $0x10, s1;
	s14 =	sor.u32 $0x20, s1;
	vm0 =	vge.f32 v5, $2.000000000e+00;
	v3 =	vadd.f32 $2.000000000e+00, v5;
	[tilespmem:s30+$0xF000] =	vst v11  }
0x11f: {  	vm1 =	vge.f32 v6, $2.000000000e+00;
	s1 =	sor.u32 $0x30, s1;
	v6 =	vnsel vm2, $0xBF800000, v4;
	v11 =	vld [tilespmem:s6+$0x80];
	s19 =	sor.u32 s8, s0;
	s13 =	sor.u32 s14, s0;
	v5 =	vsel vm0, v9, v10;
	[tilespmem:s21+$0x0] =	vst v14  }
0x120: {  	p0 =	slt.u32 s17, $0xFC0;
	vm3 =	vge.f32 v12, $2.000000000e+00;
	s30 =	sor.u32 s24, s12;
	s0 =	sor.u32 s1, s0;
	v9 =	vsub.f32 $0.0e+00, v7;
	v2 =	vld [tilespmem:s13+$0x0];
	[tilespmem:s18+$0x0] =	vst v5;
	v14 =	vsub.f32 $0.0e+00, v8  }
.Ltmp14:
0x121: {  	s25 =	smov.u32 s17;
	vm4 =	vge.f32 v7, $0.0e+00;
	s21 =	smov.u32 s11;
	vm5 =	vge.f32 v8, $0.0e+00;
	v4 =	vld [tilespmem:s0+$0x0];
	v10 =	vsub.f32 $0.0e+00, v13;
	[tilespmem:s30+$0xF000] =	vst v6;
	(pc) =	sbr.rel @p0 .LBB2_21-.Ltmp14, $4  }
0x122: {  	s12 =	smov.u32 s14;
	s14 =	smov.u32 s10;
	s10 =	smov.u32 s1;
	v7 =	vsel vm4, $0xBF800000, v0;
	vm4 =	vge.f32 v13, $0.0e+00;
	v13 =	vsel vm5, $0xBF800000, v0;
	v6 =	vld [tilespmem:s19+$0x0]  }
0x123: {  	s29 =	sor.u32 s24, s16;
	v16 =	vadd.f32 $2.000000000e+00, v12;
	s16 =	smov.u32 s8;
	v8 =	vsel vm1, v9, v7;
	v15 =	vsel vm4, $0xBF800000, v0;
	v5 =	vld [tilespmem:s6+$0x0]  }
0x124: {  	v9 =	vsub.f32 $0.0e+00, v11;
	vm4 =	vge.f32 v11, $0.0e+00;
	v7 =	vld [tilespmem:s19+$0x80];
	[tilespmem:s29+$0xB000] =	vst v8;
	v11 =	vsel vm2, v10, v15  }
0x125: {  	s20 =	sadd.s32 $0x80, s20;
	s18 =	sadd.s32 $0x40, s18;
	v12 =	vsel vm3, v14, v13;
	v10 =	vsel vm4, $0xBF800000, v0;
	v8 =	vld [tilespmem:s0+$0x80];
	[tilespmem:s30+$0xB000] =	vst v11;
	s30 =	sor.u32 s24, s14;
	v11 =	vnsel vm3, $0xBF800000, v16  }
0x126: {  	v13 =	vld [tilespmem:s13+$0x80];
	v3 =	vnsel vm0, $0xBF800000, v3;
	v1 =	vnsel vm1, $0xBF800000, v1;
	[tilespmem:s30+$0xB000] =	vst v12  }
0x127: {  	v60 =	vadd.f32 $2.000000000e+00, v2;
	vm13 =	vge.f32 v2, $2.000000000e+00;
	[tilespmem:s30+$0xF000] =	vst v11;
	vm15 =	vge.f32 v4, $2.000000000e+00  }
0x128: {  	s0 =	sand.u32 $0xF80, s25;
	v14 =	vadd.f32 $2.000000000e+00, v6;
	[tilespmem:s29+$0xF000] =	vst v1;
	vm2 =	vge.f32 v6, $2.000000000e+00;
	vm12 =	vge.f32 v5, $2.000000000e+00  }
0x129: {  	[tilespmem:s21+$0x0] =	vst v3;
	s1 =	sor.u32 s0, s12;
	v2 =	vnsel vm13, $0xBF800000, v60;
	v1 =	vsel vm12, v9, v10;
	v3 =	vsub.f32 $0.0e+00, v7  }
0x12a: {  	vm3 =	vge.f32 v7, $0.0e+00;
	[tilespmem:s1+$0xF000] =	vst v2;
	v63 =	vnsel vm2, $0xBF800000, v14;
	v61 =	vsub.f32 $0.0e+00, v8  }
0x12b: {  	s6 =	sor.u32 s0, s16;
	[tilespmem:s18+$0x0] =	vst v1;
	v7 =	vsel vm3, $0xBF800000, v0;
	v1 =	vsub.f32 $0.0e+00, v13;
	vm14 =	vge.f32 v13, $0.0e+00  }
0x12c: {  	vm4 =	vge.f32 v8, $0.0e+00;
	[tilespmem:s6+$0xF000] =	vst v63;
	v2 =	vsel vm2, v3, v7;
	v3 =	vsel vm14, $0xBF800000, v0  }
0x12d: {  	v62 =	vsel vm4, $0xBF800000, v0;
	[tilespmem:s6+$0xB000] =	vst v2;
	v2 =	vadd.f32 $2.000000000e+00, v4;
	v1 =	vsel vm13, v1, v3  }
0x12e: {  	s0 =	sor.u32 s0, s10;
	v3 =	vadd.f32 $2.000000000e+00, v5;
	[tilespmem:s1+$0xB000] =	vst v1;
	v1 =	vsel vm15, v61, v62  }
0x12f: {  	p0 =	seq.s32 s15, $0x1F;
	[tilespmem:s0+$0xB000] =	vst v1;
	v1 =	vnsel vm15, $0xBF800000, v2  }
.Ltmp15:
0x130: {  	s24 =	sor.u32 $0x600, s9;
	s21 =	sadd.s32 $0x40, s11;
	v2 =	vnsel vm12, $0xBF800000, v3;
	[tilespmem:s0+$0xF000] =	vst v1;
	(pc) =	sbr.rel @p0 .LBB2_24-.Ltmp15, $4  }
0x131: {  	s25 =	sadd.s32 s3, s24;
	s29 =	simm.s32 $0xB000;
	[tilespmem:s21+$0x0] =	vst v2  }
0x132: {  	[hbm4b:s25+s5] =	stream.linear.scatter [tilespmem:s29], [sflag:$0x8], $0x1000, $0x38;
	[tilespmem:$0x10000] =	vst v63  }
0x133: {  	s30 =	simm.s32 $0xF000;
	s0 =	sadd.s32 s4, s24  }
0x134: {  	[hbm4b:s0+s5] =	stream.linear.scatter [tilespmem:s30], [sflag:$0x8], $0x1000, $0x38;
	[tilespmem:$0x10000] =	vst v63  }
.Ltmp16:
0x135: {  	s0 =	rddreg [dreg:$0xc];
	(pc) =	sbr.rel .LBB2_2-.Ltmp16, $4  }
0x136: {  	s0 =	sadd.s32 s7, s0  }
0x137: {  	s1 =	rddreg [dreg:$0x0];
	s0 =	sshrl.u32 s0, $0x3  }
0x138: {  	s30 =	simm.s32 $0x6000;
	s15 =	sadd.s32 $0x1, s15;
	s0 =	sadd.s32 s1, s0  }
0x139: {  	[tilespmem:s30], [sflag:$0x4] =	stream.linear.gather [hbm4b:s0+s5], $0x2000, $0x38;
	[tilespmem:$0x10000] =	vst v63  }
.LBB2_25:
0x13a: {  	_ =	sfence.sel $0x180000  }
0x13b: {  	[bflag:$0x0] =	sbarrier.arrive $0xFFFF  }
0x13c: {  	_ =	strace $0x90000047  }
0x13d: {  	s0 =	stileid.u32;
	[bflag:$0x2] =	sbarrier.arrive $0xFFFF  }
0x13e: {  	p0 =	sne.s32 s0, $0x0;
	s0 =	rddreg [dreg:$0x3]  }
0x13f: {  	s0 =	sadd.s32 @!p0 $0x100000, s0  }
0x140: {  	[sflag:s0] =	ssyncadd.tile.s32 @!p0 $0x1;
	_ =	shalt  }
.Lfunc_end2:
_tile_overlayer_lowered:
.L_overlay_start_2:
0x141: {  	(tag) =	ssettag $0x2  }
0x142: {  	s0 =	rddreg [dreg:$0x0];
	s2 =	stileid.u32  }
0x143: {  	s1 =	rddreg [dreg:$0x1];
	p0 =	sne.s32 s2, $0x0  }
0x144: {  	s3 =	rddreg [dreg:$0x2];
	[bflag:$0x3] =	sbarrier.arrive $0xFFFF;
	s2 =	simm.s32 @!p0 $0x1C09  }
0x145: {  	[timem:s3], [sflag:s2] =	dma.local @!p0 [hbm:s0], s1  }
0x146: {  	s0 =	simm.s32 @!p0 $0x9  }
0x147: {  	_ =	swait.ge @!p0 [sflag:s0], s1  }
0x148: {  	s1 =	ssub.s32 @!p0 $0x0, s1;
	[sflag:s0] =	ssyncset.done @!p0 $0x0  }
0x149: {  	[sflag:s0] =	ssyncadd.s32 @!p0 s1  }
0x14a: {  	[bflag:$0x3] =	sbarrier.arrive $0xFFFF  }
0x14b: {  	_ =	shalt  }

</sc_bundles>
